<compile_context>
chip_gen: v7x
topology: tpu7x:2x2x1
jax: 0.10.2.dev20260603
libtpu: 0.0.44.dev20260713+nightly
codegen_flags: <defaults>
</compile_context>

<pallas_src>
import functools

import jax
import jax.numpy as jnp
from jax import lax
from jax.experimental import pallas as pl
from jax.experimental.pallas import tpu as pltpu
from jax.experimental.pallas import tpu_sc as plsc

_C = 128
_NBUF = 5


@functools.cache
def _make_gather(B, V, D):
    info = plsc.get_sparse_core_info()
    NC, NS = info.num_cores, info.num_subcores
    NW = NC * NS
    assert B % (NW * _C * _NBUF) == 0
    per_w = B // NW
    n_chunks = per_w // _C
    n_grp = n_chunks // _NBUF
    mesh = plsc.VectorSubcoreMesh(core_axis_name="c", subcore_axis_name="s")

    @functools.partial(
        pl.kernel,
        mesh=mesh,
        out_type=jax.ShapeDtypeStruct((B, D), jnp.float32),
        scratch_types=[
            pltpu.VMEM((n_chunks, _C), jnp.int32),
            pltpu.VMEM((_NBUF, _C, D), jnp.float32),
            pltpu.SemaphoreType.DMA,
            pltpu.SemaphoreType.DMA,
        ],
    )
    def gather_kernel(idx_hbm, table_hbm, out_hbm, idx_v, rows_v, sem_g, sem_s):
        wid = lax.axis_index("s") * NC + lax.axis_index("c")
        base = wid * per_w
        pltpu.sync_copy(idx_hbm.at[wid], idx_v)

        def body(g, carry):
            for b in range(_NBUF):
                c = g * _NBUF + b

                @pl.when(g > 0)
                def _wait_prev_store(b=b):
                    pltpu.make_async_copy(
                        rows_v.at[b], out_hbm.at[pl.ds(base, _C)], sem_s
                    ).wait()

                pltpu.async_copy(table_hbm.at[idx_v.at[c]], rows_v.at[b], sem_g)
            for b in range(_NBUF):
                c = g * _NBUF + b
                pltpu.make_async_copy(
                    table_hbm.at[idx_v.at[c]], rows_v.at[b], sem_g
                ).wait()
                pltpu.async_copy(
                    rows_v.at[b], out_hbm.at[pl.ds(base + c * _C, _C)], sem_s
                )
            return carry

        lax.fori_loop(0, n_grp, body, 0)
        for b in range(_NBUF):
            pltpu.make_async_copy(
                rows_v.at[b], out_hbm.at[pl.ds(base, _C)], sem_s
            ).wait()

    return gather_kernel


def kernel(input_seqs, table):
    S0, S1 = input_seqs.shape
    V, D = table.shape
    idx = input_seqs.reshape(-1)
    if idx.dtype != jnp.int32:
        idx = idx.astype(jnp.int32)
    B = idx.shape[0]
    info = plsc.get_sparse_core_info()
    NW = info.num_cores * info.num_subcores
    idx3 = idx.reshape(NW, (B // NW) // _C, _C)
    out = _make_gather(B, V, D)(idx3, table)
    return out.reshape(S0, S1, D)

# --- scband reference (transcript-rebuilt; emitter-appended) ---
"""Pipeline reference for scband-embeddings-24404004176061 (READ-ONLY COPY).

The authoritative reference and input builder live on the scoring server;
editing this copy changes nothing except your own understanding.
"""

import jax, jax.numpy as jnp
import numpy as np

def setup_inputs(seed: int = 0) -> dict:
    key = jax.random.key(seed)
    k1, k2 = jax.random.split(key)
    input_seqs = jax.random.randint(k1, (4096, 200), 0, 100000, dtype=jnp.int64 if jax.config.read('jax_enable_x64') else jnp.int32)
    # Embedding table: nn.Embedding(100000, 128), weight init normal(std=trunc_norm_init_std~1e-4); use normal
    table = jax.random.normal(k2, (100000, 128), dtype=jnp.float32) * 1e-4
    return {"input_seqs": input_seqs, "table": table}

def reference(input_seqs, table):
    # embedded = self.embedding(input_seqs)
    embedded = jnp.take(table, input_seqs, axis=0)
    return embedded

if __name__ == "__main__":
    import jax
    _d = setup_inputs()
    print(jax.jit(kernel)(*tuple(_d.values())))

</pallas_src>

<mosaic_0001>
#map = affine_map<(d0, d1) -> (0, 0, 0)>
#map1 = affine_map<(d0, d1) -> (0, 0)>
module attributes {stable_mosaic.version = 14 : i64} {
  func.func @gather_kernel(%arg0: i32, %arg1: i32, %arg2: memref<32x200x128xi32, #tpu.memory_space<hbm>>, %arg3: memref<100000x128xf32, #tpu.memory_space<hbm>>, %arg4: memref<819200x128xf32, #tpu.memory_space<hbm>>, %arg5: memref<200x128xi32, #tpu.memory_space<vmem>>, %arg6: memref<5x128x128xf32, #tpu.memory_space<vmem>>, %arg7: memref<!tpu.dma_semaphore, #tpu.memory_space<semaphore_mem>>, %arg8: memref<!tpu.dma_semaphore, #tpu.memory_space<semaphore_mem>>) attributes {dimension_semantics = [#tpu.dimension_semantics<core_parallel>, #tpu.dimension_semantics<subcore_parallel>], iteration_bounds = array<i64: 2, 16>, scalar_prefetch = 0 : i64, scratch_operands = 4 : i64, tpu.core_type = #tpu.core_type<sc_vector_subcore>, window_params = [{transform_indices = #map}, {transform_indices = #map1}, {transform_indices = #map1}]} {
    %mul3A = arith.constant 2 : i32
    %mul3A_0 = arith.muli %arg1, %mul3A : i32
    %add3A = arith.addi %mul3A_0, %arg0 : i32
    %mul3A_1 = arith.constant 25600 : i32
    %mul3A_2 = arith.muli %add3A, %mul3A_1 : i32
    "tpu.region"() ({
      %run_scoped3A = tpu.sem_alloc : memref<!tpu.dma_semaphore, #tpu.memory_space<semaphore_mem>>
      %dma_start3A = arith.constant 0 : i32
      %dma_start3A_72 = arith.constant 0 : i32
      %dma_start3A_73 = tpu.memref_slice %arg2[%add3A, %dma_start3A, %dma_start3A_72] : memref<32x200x128xi32, #tpu.memory_space<hbm>> -> memref<1x200x128xi32, #tpu.memory_space<hbm>>
      %dma_start3A_74 = tpu.memref_squeeze %dma_start3A_73 : memref<1x200x128xi32, #tpu.memory_space<hbm>> -> memref<200x128xi32, #tpu.memory_space<hbm>>
      %dma_start3A_75 = arith.constant 0 : i32
      %dma_start3A_76 = arith.constant 0 : i32
      %dma_start3A_77 = tpu.memref_slice %arg2[%add3A, %dma_start3A_75, %dma_start3A_76] : memref<32x200x128xi32, #tpu.memory_space<hbm>> -> memref<1x200x128xi32, #tpu.memory_space<hbm>>
      %dma_start3A_78 = tpu.memref_squeeze %dma_start3A_77 : memref<1x200x128xi32, #tpu.memory_space<hbm>> -> memref<200x128xi32, #tpu.memory_space<hbm>>
      tpu.enqueue_dma source(%dma_start3A_78 : memref<200x128xi32, #tpu.memory_space<hbm>>) target(%arg5 : memref<200x128xi32, #tpu.memory_space<vmem>>) target_semaphore(%run_scoped3A : memref<!tpu.dma_semaphore, #tpu.memory_space<semaphore_mem>>)
      %dma_wait3A_79 = arith.constant 0 : i32
      %dma_wait3A_80 = arith.constant 0 : i32
      %dma_wait3A_81 = tpu.memref_slice %arg2[%add3A, %dma_wait3A_79, %dma_wait3A_80] : memref<32x200x128xi32, #tpu.memory_space<hbm>> -> memref<1x200x128xi32, #tpu.memory_space<hbm>>
      %dma_wait3A_82 = tpu.memref_squeeze %dma_wait3A_81 : memref<1x200x128xi32, #tpu.memory_space<hbm>> -> memref<200x128xi32, #tpu.memory_space<hbm>>
      %dma_wait3A_83 = arith.constant 0 : i32
      %dma_wait3A_84 = arith.constant 0 : i32
      %dma_wait3A_85 = tpu.memref_slice %arg2[%add3A, %dma_wait3A_83, %dma_wait3A_84] : memref<32x200x128xi32, #tpu.memory_space<hbm>> -> memref<1x200x128xi32, #tpu.memory_space<hbm>>
      %dma_wait3A_86 = tpu.memref_squeeze %dma_wait3A_85 : memref<1x200x128xi32, #tpu.memory_space<hbm>> -> memref<200x128xi32, #tpu.memory_space<hbm>>
      tpu.wait_dma2 semaphore(%run_scoped3A : memref<!tpu.dma_semaphore, #tpu.memory_space<semaphore_mem>>) src(%dma_wait3A_86 : memref<200x128xi32, #tpu.memory_space<hbm>>) dst(%arg5 : memref<200x128xi32, #tpu.memory_space<vmem>>)
      tpu.yield
    }) : () -> ()
    %scan3A = arith.constant 0 : i32
    %scan3A_3 = arith.constant 0 : i32
    %scan3A_4 = arith.constant 40 : i32
    %scan3A_5 = arith.addi %scan3A_3, %scan3A_4 : i32
    %scan3A_6 = arith.constant 1 : i32
    scf.for %scan3A_72 = %scan3A_3 to %scan3A_5 step %scan3A_6  : i32 {
      %mul3A_73 = arith.constant 5 : i32
      %mul3A_74 = arith.muli %scan3A_72, %mul3A_73 : i32
      %add3A_75 = arith.constant 0 : i32
      %add3A_76 = arith.addi %mul3A_74, %add3A_75 : i32
      %gt3A = arith.constant 0 : i32
      %gt3A_77 = arith.cmpi sgt, %scan3A_72, %gt3A : i32
      %convert_element_type3A = arith.extui %gt3A_77 : i1 to i32
      %cond3A = arith.constant 0 : i32
      %cond3A_78 = arith.cmpi ne, %convert_element_type3A, %cond3A : i32
      scf.if %cond3A_78 {
        %dma_wait3A_324 = arith.constant 0 : i32
        %dma_wait3A_325 = arith.constant 0 : i32
        %dma_wait3A_326 = arith.constant 0 : i32
        %dma_wait3A_327 = tpu.memref_slice %arg6[%dma_wait3A_324, %dma_wait3A_325, %dma_wait3A_326] : memref<5x128x128xf32, #tpu.memory_space<vmem>> -> memref<1x128x128xf32, #tpu.memory_space<vmem>>
        %dma_wait3A_328 = tpu.memref_squeeze %dma_wait3A_327 : memref<1x128x128xf32, #tpu.memory_space<vmem>> -> memref<128x128xf32, #tpu.memory_space<vmem>>
        %dma_wait3A_329 = arith.constant 0 : i32
        %dma_wait3A_330 = tpu.memref_slice %arg4[%mul3A_2, %dma_wait3A_329] : memref<819200x128xf32, #tpu.memory_space<hbm>> -> memref<128x128xf32, #tpu.memory_space<hbm>>
        %dma_wait3A_331 = arith.constant 0 : i32
        %dma_wait3A_332 = tpu.memref_slice %arg4[%mul3A_2, %dma_wait3A_331] : memref<819200x128xf32, #tpu.memory_space<hbm>> -> memref<128x128xf32, #tpu.memory_space<hbm>>
        %dma_wait3A_333 = arith.constant 0 : i32
        %dma_wait3A_334 = arith.constant 0 : i32
        %dma_wait3A_335 = tpu.memref_slice %arg6[%dma_wait3A_324, %dma_wait3A_333, %dma_wait3A_334] : memref<5x128x128xf32, #tpu.memory_space<vmem>> -> memref<1x128x128xf32, #tpu.memory_space<vmem>>
        %dma_wait3A_336 = tpu.memref_squeeze %dma_wait3A_335 : memref<1x128x128xf32, #tpu.memory_space<vmem>> -> memref<128x128xf32, #tpu.memory_space<vmem>>
        tpu.wait_dma2 semaphore(%arg8 : memref<!tpu.dma_semaphore, #tpu.memory_space<semaphore_mem>>) src(%dma_wait3A_336 : memref<128x128xf32, #tpu.memory_space<vmem>>) dst(%dma_wait3A_332 : memref<128x128xf32, #tpu.memory_space<hbm>>)
      } else {
      }
      %dma_start3A = arith.constant 0 : i32
      %dma_start3A_79 = arith.constant 0 : i32
      %dma_start3A_80 = arith.constant 0 : i32
      %dma_start3A_81 = tpu.memref_slice %arg6[%dma_start3A, %dma_start3A_79, %dma_start3A_80] : memref<5x128x128xf32, #tpu.memory_space<vmem>> -> memref<1x128x128xf32, #tpu.memory_space<vmem>>
      %dma_start3A_82 = tpu.memref_squeeze %dma_start3A_81 : memref<1x128x128xf32, #tpu.memory_space<vmem>> -> memref<128x128xf32, #tpu.memory_space<vmem>>
      %dma_start3A_83 = arith.constant 0 : i32
      %dma_start3A_84 = tpu.memref_slice %arg5[%add3A_76, %dma_start3A_83] : memref<200x128xi32, #tpu.memory_space<vmem>> -> memref<1x128xi32, #tpu.memory_space<vmem>>
      %dma_start3A_85 = tpu.memref_squeeze %dma_start3A_84 : memref<1x128xi32, #tpu.memory_space<vmem>> -> memref<128xi32, #tpu.memory_space<vmem>>
      %dma_start3A_86 = arith.constant 0 : i32
      %dma_start3A_87 = arith.constant 0 : i32
      %dma_start3A_88 = tpu.memref_slice %arg3[%dma_start3A_86, %dma_start3A_87] : memref<100000x128xf32, #tpu.memory_space<hbm>> -> memref<100000x128xf32, #tpu.memory_space<hbm>>
      tpu.enqueue_indirect_dma source(%dma_start3A_88 : memref<100000x128xf32, #tpu.memory_space<hbm>>) target(%dma_start3A_82 : memref<128x128xf32, #tpu.memory_space<vmem>>) offsets(%dma_start3A_85 : memref<128xi32, #tpu.memory_space<vmem>>) semaphore(%arg7 : memref<!tpu.dma_semaphore, #tpu.memory_space<semaphore_mem>>)
      %mul3A_89 = arith.constant 5 : i32
      %mul3A_90 = arith.muli %scan3A_72, %mul3A_89 : i32
      %add3A_91 = arith.constant 1 : i32
      %add3A_92 = arith.addi %mul3A_90, %add3A_91 : i32
      %gt3A_93 = arith.constant 0 : i32
      %gt3A_94 = arith.cmpi sgt, %scan3A_72, %gt3A_93 : i32
      %convert_element_type3A_95 = arith.extui %gt3A_94 : i1 to i32
      %cond3A_96 = arith.constant 0 : i32
      %cond3A_97 = arith.cmpi ne, %convert_element_type3A_95, %cond3A_96 : i32
      scf.if %cond3A_97 {
        %dma_wait3A_324 = arith.constant 1 : i32
        %dma_wait3A_325 = arith.constant 0 : i32
        %dma_wait3A_326 = arith.constant 0 : i32
        %dma_wait3A_327 = tpu.memref_slice %arg6[%dma_wait3A_324, %dma_wait3A_325, %dma_wait3A_326] : memref<5x128x128xf32, #tpu.memory_space<vmem>> -> memref<1x128x128xf32, #tpu.memory_space<vmem>>
        %dma_wait3A_328 = tpu.memref_squeeze %dma_wait3A_327 : memref<1x128x128xf32, #tpu.memory_space<vmem>> -> memref<128x128xf32, #tpu.memory_space<vmem>>
        %dma_wait3A_329 = arith.constant 0 : i32
        %dma_wait3A_330 = tpu.memref_slice %arg4[%mul3A_2, %dma_wait3A_329] : memref<819200x128xf32, #tpu.memory_space<hbm>> -> memref<128x128xf32, #tpu.memory_space<hbm>>
        %dma_wait3A_331 = arith.constant 0 : i32
        %dma_wait3A_332 = tpu.memref_slice %arg4[%mul3A_2, %dma_wait3A_331] : memref<819200x128xf32, #tpu.memory_space<hbm>> -> memref<128x128xf32, #tpu.memory_space<hbm>>
        %dma_wait3A_333 = arith.constant 0 : i32
        %dma_wait3A_334 = arith.constant 0 : i32
        %dma_wait3A_335 = tpu.memref_slice %arg6[%dma_wait3A_324, %dma_wait3A_333, %dma_wait3A_334] : memref<5x128x128xf32, #tpu.memory_space<vmem>> -> memref<1x128x128xf32, #tpu.memory_space<vmem>>
        %dma_wait3A_336 = tpu.memref_squeeze %dma_wait3A_335 : memref<1x128x128xf32, #tpu.memory_space<vmem>> -> memref<128x128xf32, #tpu.memory_space<vmem>>
        tpu.wait_dma2 semaphore(%arg8 : memref<!tpu.dma_semaphore, #tpu.memory_space<semaphore_mem>>) src(%dma_wait3A_336 : memref<128x128xf32, #tpu.memory_space<vmem>>) dst(%dma_wait3A_332 : memref<128x128xf32, #tpu.memory_space<hbm>>)
      } else {
      }
      %dma_start3A_98 = arith.constant 1 : i32
      %dma_start3A_99 = arith.constant 0 : i32
      %dma_start3A_100 = arith.constant 0 : i32
      %dma_start3A_101 = tpu.memref_slice %arg6[%dma_start3A_98, %dma_start3A_99, %dma_start3A_100] : memref<5x128x128xf32, #tpu.memory_space<vmem>> -> memref<1x128x128xf32, #tpu.memory_space<vmem>>
      %dma_start3A_102 = tpu.memref_squeeze %dma_start3A_101 : memref<1x128x128xf32, #tpu.memory_space<vmem>> -> memref<128x128xf32, #tpu.memory_space<vmem>>
      %dma_start3A_103 = arith.constant 0 : i32
      %dma_start3A_104 = tpu.memref_slice %arg5[%add3A_92, %dma_start3A_103] : memref<200x128xi32, #tpu.memory_space<vmem>> -> memref<1x128xi32, #tpu.memory_space<vmem>>
      %dma_start3A_105 = tpu.memref_squeeze %dma_start3A_104 : memref<1x128xi32, #tpu.memory_space<vmem>> -> memref<128xi32, #tpu.memory_space<vmem>>
      %dma_start3A_106 = arith.constant 0 : i32
      %dma_start3A_107 = arith.constant 0 : i32
      %dma_start3A_108 = tpu.memref_slice %arg3[%dma_start3A_106, %dma_start3A_107] : memref<100000x128xf32, #tpu.memory_space<hbm>> -> memref<100000x128xf32, #tpu.memory_space<hbm>>
      tpu.enqueue_indirect_dma source(%dma_start3A_108 : memref<100000x128xf32, #tpu.memory_space<hbm>>) target(%dma_start3A_102 : memref<128x128xf32, #tpu.memory_space<vmem>>) offsets(%dma_start3A_105 : memref<128xi32, #tpu.memory_space<vmem>>) semaphore(%arg7 : memref<!tpu.dma_semaphore, #tpu.memory_space<semaphore_mem>>)
      %mul3A_109 = arith.constant 5 : i32
      %mul3A_110 = arith.muli %scan3A_72, %mul3A_109 : i32
      %add3A_111 = arith.constant 2 : i32
      %add3A_112 = arith.addi %mul3A_110, %add3A_111 : i32
      %gt3A_113 = arith.constant 0 : i32
      %gt3A_114 = arith.cmpi sgt, %scan3A_72, %gt3A_113 : i32
      %convert_element_type3A_115 = arith.extui %gt3A_114 : i1 to i32
      %cond3A_116 = arith.constant 0 : i32
      %cond3A_117 = arith.cmpi ne, %convert_element_type3A_115, %cond3A_116 : i32
      scf.if %cond3A_117 {
        %dma_wait3A_324 = arith.constant 2 : i32
        %dma_wait3A_325 = arith.constant 0 : i32
        %dma_wait3A_326 = arith.constant 0 : i32
        %dma_wait3A_327 = tpu.memref_slice %arg6[%dma_wait3A_324, %dma_wait3A_325, %dma_wait3A_326] : memref<5x128x128xf32, #tpu.memory_space<vmem>> -> memref<1x128x128xf32, #tpu.memory_space<vmem>>
        %dma_wait3A_328 = tpu.memref_squeeze %dma_wait3A_327 : memref<1x128x128xf32, #tpu.memory_space<vmem>> -> memref<128x128xf32, #tpu.memory_space<vmem>>
        %dma_wait3A_329 = arith.constant 0 : i32
        %dma_wait3A_330 = tpu.memref_slice %arg4[%mul3A_2, %dma_wait3A_329] : memref<819200x128xf32, #tpu.memory_space<hbm>> -> memref<128x128xf32, #tpu.memory_space<hbm>>
        %dma_wait3A_331 = arith.constant 0 : i32
        %dma_wait3A_332 = tpu.memref_slice %arg4[%mul3A_2, %dma_wait3A_331] : memref<819200x128xf32, #tpu.memory_space<hbm>> -> memref<128x128xf32, #tpu.memory_space<hbm>>
        %dma_wait3A_333 = arith.constant 0 : i32
        %dma_wait3A_334 = arith.constant 0 : i32
        %dma_wait3A_335 = tpu.memref_slice %arg6[%dma_wait3A_324, %dma_wait3A_333, %dma_wait3A_334] : memref<5x128x128xf32, #tpu.memory_space<vmem>> -> memref<1x128x128xf32, #tpu.memory_space<vmem>>
        %dma_wait3A_336 = tpu.memref_squeeze %dma_wait3A_335 : memref<1x128x128xf32, #tpu.memory_space<vmem>> -> memref<128x128xf32, #tpu.memory_space<vmem>>
        tpu.wait_dma2 semaphore(%arg8 : memref<!tpu.dma_semaphore, #tpu.memory_space<semaphore_mem>>) src(%dma_wait3A_336 : memref<128x128xf32, #tpu.memory_space<vmem>>) dst(%dma_wait3A_332 : memref<128x128xf32, #tpu.memory_space<hbm>>)
      } else {
      }
      %dma_start3A_118 = arith.constant 2 : i32
      %dma_start3A_119 = arith.constant 0 : i32
      %dma_start3A_120 = arith.constant 0 : i32
      %dma_start3A_121 = tpu.memref_slice %arg6[%dma_start3A_118, %dma_start3A_119, %dma_start3A_120] : memref<5x128x128xf32, #tpu.memory_space<vmem>> -> memref<1x128x128xf32, #tpu.memory_space<vmem>>
      %dma_start3A_122 = tpu.memref_squeeze %dma_start3A_121 : memref<1x128x128xf32, #tpu.memory_space<vmem>> -> memref<128x128xf32, #tpu.memory_space<vmem>>
      %dma_start3A_123 = arith.constant 0 : i32
      %dma_start3A_124 = tpu.memref_slice %arg5[%add3A_112, %dma_start3A_123] : memref<200x128xi32, #tpu.memory_space<vmem>> -> memref<1x128xi32, #tpu.memory_space<vmem>>
      %dma_start3A_125 = tpu.memref_squeeze %dma_start3A_124 : memref<1x128xi32, #tpu.memory_space<vmem>> -> memref<128xi32, #tpu.memory_space<vmem>>
      %dma_start3A_126 = arith.constant 0 : i32
      %dma_start3A_127 = arith.constant 0 : i32
      %dma_start3A_128 = tpu.memref_slice %arg3[%dma_start3A_126, %dma_start3A_127] : memref<100000x128xf32, #tpu.memory_space<hbm>> -> memref<100000x128xf32, #tpu.memory_space<hbm>>
      tpu.enqueue_indirect_dma source(%dma_start3A_128 : memref<100000x128xf32, #tpu.memory_space<hbm>>) target(%dma_start3A_122 : memref<128x128xf32, #tpu.memory_space<vmem>>) offsets(%dma_start3A_125 : memref<128xi32, #tpu.memory_space<vmem>>) semaphore(%arg7 : memref<!tpu.dma_semaphore, #tpu.memory_space<semaphore_mem>>)
      %mul3A_129 = arith.constant 5 : i32
      %mul3A_130 = arith.muli %scan3A_72, %mul3A_129 : i32
      %add3A_131 = arith.constant 3 : i32
      %add3A_132 = arith.addi %mul3A_130, %add3A_131 : i32
      %gt3A_133 = arith.constant 0 : i32
      %gt3A_134 = arith.cmpi sgt, %scan3A_72, %gt3A_133 : i32
      %convert_element_type3A_135 = arith.extui %gt3A_134 : i1 to i32
      %cond3A_136 = arith.constant 0 : i32
      %cond3A_137 = arith.cmpi ne, %convert_element_type3A_135, %cond3A_136 : i32
      scf.if %cond3A_137 {
        %dma_wait3A_324 = arith.constant 3 : i32
        %dma_wait3A_325 = arith.constant 0 : i32
        %dma_wait3A_326 = arith.constant 0 : i32
        %dma_wait3A_327 = tpu.memref_slice %arg6[%dma_wait3A_324, %dma_wait3A_325, %dma_wait3A_326] : memref<5x128x128xf32, #tpu.memory_space<vmem>> -> memref<1x128x128xf32, #tpu.memory_space<vmem>>
        %dma_wait3A_328 = tpu.memref_squeeze %dma_wait3A_327 : memref<1x128x128xf32, #tpu.memory_space<vmem>> -> memref<128x128xf32, #tpu.memory_space<vmem>>
        %dma_wait3A_329 = arith.constant 0 : i32
        %dma_wait3A_330 = tpu.memref_slice %arg4[%mul3A_2, %dma_wait3A_329] : memref<819200x128xf32, #tpu.memory_space<hbm>> -> memref<128x128xf32, #tpu.memory_space<hbm>>
        %dma_wait3A_331 = arith.constant 0 : i32
        %dma_wait3A_332 = tpu.memref_slice %arg4[%mul3A_2, %dma_wait3A_331] : memref<819200x128xf32, #tpu.memory_space<hbm>> -> memref<128x128xf32, #tpu.memory_space<hbm>>
        %dma_wait3A_333 = arith.constant 0 : i32
        %dma_wait3A_334 = arith.constant 0 : i32
        %dma_wait3A_335 = tpu.memref_slice %arg6[%dma_wait3A_324, %dma_wait3A_333, %dma_wait3A_334] : memref<5x128x128xf32, #tpu.memory_space<vmem>> -> memref<1x128x128xf32, #tpu.memory_space<vmem>>
        %dma_wait3A_336 = tpu.memref_squeeze %dma_wait3A_335 : memref<1x128x128xf32, #tpu.memory_space<vmem>> -> memref<128x128xf32, #tpu.memory_space<vmem>>
        tpu.wait_dma2 semaphore(%arg8 : memref<!tpu.dma_semaphore, #tpu.memory_space<semaphore_mem>>) src(%dma_wait3A_336 : memref<128x128xf32, #tpu.memory_space<vmem>>) dst(%dma_wait3A_332 : memref<128x128xf32, #tpu.memory_space<hbm>>)
      } else {
      }
      %dma_start3A_138 = arith.constant 3 : i32
      %dma_start3A_139 = arith.constant 0 : i32
      %dma_start3A_140 = arith.constant 0 : i32
      %dma_start3A_141 = tpu.memref_slice %arg6[%dma_start3A_138, %dma_start3A_139, %dma_start3A_140] : memref<5x128x128xf32, #tpu.memory_space<vmem>> -> memref<1x128x128xf32, #tpu.memory_space<vmem>>
      %dma_start3A_142 = tpu.memref_squeeze %dma_start3A_141 : memref<1x128x128xf32, #tpu.memory_space<vmem>> -> memref<128x128xf32, #tpu.memory_space<vmem>>
      %dma_start3A_143 = arith.constant 0 : i32
      %dma_start3A_144 = tpu.memref_slice %arg5[%add3A_132, %dma_start3A_143] : memref<200x128xi32, #tpu.memory_space<vmem>> -> memref<1x128xi32, #tpu.memory_space<vmem>>
      %dma_start3A_145 = tpu.memref_squeeze %dma_start3A_144 : memref<1x128xi32, #tpu.memory_space<vmem>> -> memref<128xi32, #tpu.memory_space<vmem>>
      %dma_start3A_146 = arith.constant 0 : i32
      %dma_start3A_147 = arith.constant 0 : i32
      %dma_start3A_148 = tpu.memref_slice %arg3[%dma_start3A_146, %dma_start3A_147] : memref<100000x128xf32, #tpu.memory_space<hbm>> -> memref<100000x128xf32, #tpu.memory_space<hbm>>
      tpu.enqueue_indirect_dma source(%dma_start3A_148 : memref<100000x128xf32, #tpu.memory_space<hbm>>) target(%dma_start3A_142 : memref<128x128xf32, #tpu.memory_space<vmem>>) offsets(%dma_start3A_145 : memref<128xi32, #tpu.memory_space<vmem>>) semaphore(%arg7 : memref<!tpu.dma_semaphore, #tpu.memory_space<semaphore_mem>>)
      %mul3A_149 = arith.constant 5 : i32
      %mul3A_150 = arith.muli %scan3A_72, %mul3A_149 : i32
      %add3A_151 = arith.constant 4 : i32
      %add3A_152 = arith.addi %mul3A_150, %add3A_151 : i32
      %gt3A_153 = arith.constant 0 : i32
      %gt3A_154 = arith.cmpi sgt, %scan3A_72, %gt3A_153 : i32
      %convert_element_type3A_155 = arith.extui %gt3A_154 : i1 to i32
      %cond3A_156 = arith.constant 0 : i32
      %cond3A_157 = arith.cmpi ne, %convert_element_type3A_155, %cond3A_156 : i32
      scf.if %cond3A_157 {
        %dma_wait3A_324 = arith.constant 4 : i32
        %dma_wait3A_325 = arith.constant 0 : i32
        %dma_wait3A_326 = arith.constant 0 : i32
        %dma_wait3A_327 = tpu.memref_slice %arg6[%dma_wait3A_324, %dma_wait3A_325, %dma_wait3A_326] : memref<5x128x128xf32, #tpu.memory_space<vmem>> -> memref<1x128x128xf32, #tpu.memory_space<vmem>>
        %dma_wait3A_328 = tpu.memref_squeeze %dma_wait3A_327 : memref<1x128x128xf32, #tpu.memory_space<vmem>> -> memref<128x128xf32, #tpu.memory_space<vmem>>
        %dma_wait3A_329 = arith.constant 0 : i32
        %dma_wait3A_330 = tpu.memref_slice %arg4[%mul3A_2, %dma_wait3A_329] : memref<819200x128xf32, #tpu.memory_space<hbm>> -> memref<128x128xf32, #tpu.memory_space<hbm>>
        %dma_wait3A_331 = arith.constant 0 : i32
        %dma_wait3A_332 = tpu.memref_slice %arg4[%mul3A_2, %dma_wait3A_331] : memref<819200x128xf32, #tpu.memory_space<hbm>> -> memref<128x128xf32, #tpu.memory_space<hbm>>
        %dma_wait3A_333 = arith.constant 0 : i32
        %dma_wait3A_334 = arith.constant 0 : i32
        %dma_wait3A_335 = tpu.memref_slice %arg6[%dma_wait3A_324, %dma_wait3A_333, %dma_wait3A_334] : memref<5x128x128xf32, #tpu.memory_space<vmem>> -> memref<1x128x128xf32, #tpu.memory_space<vmem>>
        %dma_wait3A_336 = tpu.memref_squeeze %dma_wait3A_335 : memref<1x128x128xf32, #tpu.memory_space<vmem>> -> memref<128x128xf32, #tpu.memory_space<vmem>>
        tpu.wait_dma2 semaphore(%arg8 : memref<!tpu.dma_semaphore, #tpu.memory_space<semaphore_mem>>) src(%dma_wait3A_336 : memref<128x128xf32, #tpu.memory_space<vmem>>) dst(%dma_wait3A_332 : memref<128x128xf32, #tpu.memory_space<hbm>>)
      } else {
      }
      %dma_start3A_158 = arith.constant 4 : i32
      %dma_start3A_159 = arith.constant 0 : i32
      %dma_start3A_160 = arith.constant 0 : i32
      %dma_start3A_161 = tpu.memref_slice %arg6[%dma_start3A_158, %dma_start3A_159, %dma_start3A_160] : memref<5x128x128xf32, #tpu.memory_space<vmem>> -> memref<1x128x128xf32, #tpu.memory_space<vmem>>
      %dma_start3A_162 = tpu.memref_squeeze %dma_start3A_161 : memref<1x128x128xf32, #tpu.memory_space<vmem>> -> memref<128x128xf32, #tpu.memory_space<vmem>>
      %dma_start3A_163 = arith.constant 0 : i32
      %dma_start3A_164 = tpu.memref_slice %arg5[%add3A_152, %dma_start3A_163] : memref<200x128xi32, #tpu.memory_space<vmem>> -> memref<1x128xi32, #tpu.memory_space<vmem>>
      %dma_start3A_165 = tpu.memref_squeeze %dma_start3A_164 : memref<1x128xi32, #tpu.memory_space<vmem>> -> memref<128xi32, #tpu.memory_space<vmem>>
      %dma_start3A_166 = arith.constant 0 : i32
      %dma_start3A_167 = arith.constant 0 : i32
      %dma_start3A_168 = tpu.memref_slice %arg3[%dma_start3A_166, %dma_start3A_167] : memref<100000x128xf32, #tpu.memory_space<hbm>> -> memref<100000x128xf32, #tpu.memory_space<hbm>>
      tpu.enqueue_indirect_dma source(%dma_start3A_168 : memref<100000x128xf32, #tpu.memory_space<hbm>>) target(%dma_start3A_162 : memref<128x128xf32, #tpu.memory_space<vmem>>) offsets(%dma_start3A_165 : memref<128xi32, #tpu.memory_space<vmem>>) semaphore(%arg7 : memref<!tpu.dma_semaphore, #tpu.memory_space<semaphore_mem>>)
      %mul3A_169 = arith.constant 5 : i32
      %mul3A_170 = arith.muli %scan3A_72, %mul3A_169 : i32
      %add3A_171 = arith.constant 0 : i32
      %add3A_172 = arith.addi %mul3A_170, %add3A_171 : i32
      %dma_wait3A_173 = arith.constant 0 : i32
      %dma_wait3A_174 = arith.constant 0 : i32
      %dma_wait3A_175 = arith.constant 0 : i32
      %dma_wait3A_176 = tpu.memref_slice %arg6[%dma_wait3A_173, %dma_wait3A_174, %dma_wait3A_175] : memref<5x128x128xf32, #tpu.memory_space<vmem>> -> memref<1x128x128xf32, #tpu.memory_space<vmem>>
      %dma_wait3A_177 = tpu.memref_squeeze %dma_wait3A_176 : memref<1x128x128xf32, #tpu.memory_space<vmem>> -> memref<128x128xf32, #tpu.memory_space<vmem>>
      %dma_wait3A_178 = arith.constant 0 : i32
      %dma_wait3A_179 = tpu.memref_slice %arg5[%add3A_172, %dma_wait3A_178] : memref<200x128xi32, #tpu.memory_space<vmem>> -> memref<1x128xi32, #tpu.memory_space<vmem>>
      %dma_wait3A_180 = tpu.memref_squeeze %dma_wait3A_179 : memref<1x128xi32, #tpu.memory_space<vmem>> -> memref<128xi32, #tpu.memory_space<vmem>>
      %dma_wait3A_181 = arith.constant 0 : i32
      %dma_wait3A_182 = arith.constant 0 : i32
      %dma_wait3A_183 = tpu.memref_slice %arg3[%dma_wait3A_181, %dma_wait3A_182] : memref<100000x128xf32, #tpu.memory_space<hbm>> -> memref<100000x128xf32, #tpu.memory_space<hbm>>
      tpu.wait_indirect_dma semaphore(%arg7 : memref<!tpu.dma_semaphore, #tpu.memory_space<semaphore_mem>>) src(%dma_wait3A_183 : memref<100000x128xf32, #tpu.memory_space<hbm>>) dst(%dma_wait3A_177 : memref<128x128xf32, #tpu.memory_space<vmem>>)
      %mul3A_184 = arith.constant 128 : i32
      %mul3A_185 = arith.muli %add3A_172, %mul3A_184 : i32
      %add3A_186 = arith.addi %mul3A_2, %mul3A_185 : i32
      %dma_start3A_187 = arith.constant 0 : i32
      %dma_start3A_188 = arith.constant 0 : i32
      %dma_start3A_189 = arith.constant 0 : i32
      %dma_start3A_190 = tpu.memref_slice %arg6[%dma_start3A_187, %dma_start3A_188, %dma_start3A_189] : memref<5x128x128xf32, #tpu.memory_space<vmem>> -> memref<1x128x128xf32, #tpu.memory_space<vmem>>
      %dma_start3A_191 = tpu.memref_squeeze %dma_start3A_190 : memref<1x128x128xf32, #tpu.memory_space<vmem>> -> memref<128x128xf32, #tpu.memory_space<vmem>>
      %dma_start3A_192 = arith.constant 0 : i32
      %dma_start3A_193 = tpu.memref_slice %arg4[%add3A_186, %dma_start3A_192] : memref<819200x128xf32, #tpu.memory_space<hbm>> -> memref<128x128xf32, #tpu.memory_space<hbm>>
      %dma_start3A_194 = arith.constant 0 : i32
      %dma_start3A_195 = tpu.memref_slice %arg4[%add3A_186, %dma_start3A_194] : memref<819200x128xf32, #tpu.memory_space<hbm>> -> memref<128x128xf32, #tpu.memory_space<hbm>>
      %dma_start3A_196 = arith.constant 0 : i32
      %dma_start3A_197 = arith.constant 0 : i32
      %dma_start3A_198 = tpu.memref_slice %arg6[%dma_start3A_187, %dma_start3A_196, %dma_start3A_197] : memref<5x128x128xf32, #tpu.memory_space<vmem>> -> memref<1x128x128xf32, #tpu.memory_space<vmem>>
      %dma_start3A_199 = tpu.memref_squeeze %dma_start3A_198 : memref<1x128x128xf32, #tpu.memory_space<vmem>> -> memref<128x128xf32, #tpu.memory_space<vmem>>
      tpu.enqueue_dma source(%dma_start3A_199 : memref<128x128xf32, #tpu.memory_space<vmem>>) target(%dma_start3A_195 : memref<128x128xf32, #tpu.memory_space<hbm>>) target_semaphore(%arg8 : memref<!tpu.dma_semaphore, #tpu.memory_space<semaphore_mem>>)
      %mul3A_200 = arith.constant 5 : i32
      %mul3A_201 = arith.muli %scan3A_72, %mul3A_200 : i32
      %add3A_202 = arith.constant 1 : i32
      %add3A_203 = arith.addi %mul3A_201, %add3A_202 : i32
      %dma_wait3A_204 = arith.constant 1 : i32
      %dma_wait3A_205 = arith.constant 0 : i32
      %dma_wait3A_206 = arith.constant 0 : i32
      %dma_wait3A_207 = tpu.memref_slice %arg6[%dma_wait3A_204, %dma_wait3A_205, %dma_wait3A_206] : memref<5x128x128xf32, #tpu.memory_space<vmem>> -> memref<1x128x128xf32, #tpu.memory_space<vmem>>
      %dma_wait3A_208 = tpu.memref_squeeze %dma_wait3A_207 : memref<1x128x128xf32, #tpu.memory_space<vmem>> -> memref<128x128xf32, #tpu.memory_space<vmem>>
      %dma_wait3A_209 = arith.constant 0 : i32
      %dma_wait3A_210 = tpu.memref_slice %arg5[%add3A_203, %dma_wait3A_209] : memref<200x128xi32, #tpu.memory_space<vmem>> -> memref<1x128xi32, #tpu.memory_space<vmem>>
      %dma_wait3A_211 = tpu.memref_squeeze %dma_wait3A_210 : memref<1x128xi32, #tpu.memory_space<vmem>> -> memref<128xi32, #tpu.memory_space<vmem>>
      %dma_wait3A_212 = arith.constant 0 : i32
      %dma_wait3A_213 = arith.constant 0 : i32
      %dma_wait3A_214 = tpu.memref_slice %arg3[%dma_wait3A_212, %dma_wait3A_213] : memref<100000x128xf32, #tpu.memory_space<hbm>> -> memref<100000x128xf32, #tpu.memory_space<hbm>>
      tpu.wait_indirect_dma semaphore(%arg7 : memref<!tpu.dma_semaphore, #tpu.memory_space<semaphore_mem>>) src(%dma_wait3A_214 : memref<100000x128xf32, #tpu.memory_space<hbm>>) dst(%dma_wait3A_208 : memref<128x128xf32, #tpu.memory_space<vmem>>)
      %mul3A_215 = arith.constant 128 : i32
      %mul3A_216 = arith.muli %add3A_203, %mul3A_215 : i32
      %add3A_217 = arith.addi %mul3A_2, %mul3A_216 : i32
      %dma_start3A_218 = arith.constant 1 : i32
      %dma_start3A_219 = arith.constant 0 : i32
      %dma_start3A_220 = arith.constant 0 : i32
      %dma_start3A_221 = tpu.memref_slice %arg6[%dma_start3A_218, %dma_start3A_219, %dma_start3A_220] : memref<5x128x128xf32, #tpu.memory_space<vmem>> -> memref<1x128x128xf32, #tpu.memory_space<vmem>>
      %dma_start3A_222 = tpu.memref_squeeze %dma_start3A_221 : memref<1x128x128xf32, #tpu.memory_space<vmem>> -> memref<128x128xf32, #tpu.memory_space<vmem>>
      %dma_start3A_223 = arith.constant 0 : i32
      %dma_start3A_224 = tpu.memref_slice %arg4[%add3A_217, %dma_start3A_223] : memref<819200x128xf32, #tpu.memory_space<hbm>> -> memref<128x128xf32, #tpu.memory_space<hbm>>
      %dma_start3A_225 = arith.constant 0 : i32
      %dma_start3A_226 = tpu.memref_slice %arg4[%add3A_217, %dma_start3A_225] : memref<819200x128xf32, #tpu.memory_space<hbm>> -> memref<128x128xf32, #tpu.memory_space<hbm>>
      %dma_start3A_227 = arith.constant 0 : i32
      %dma_start3A_228 = arith.constant 0 : i32
      %dma_start3A_229 = tpu.memref_slice %arg6[%dma_start3A_218, %dma_start3A_227, %dma_start3A_228] : memref<5x128x128xf32, #tpu.memory_space<vmem>> -> memref<1x128x128xf32, #tpu.memory_space<vmem>>
      %dma_start3A_230 = tpu.memref_squeeze %dma_start3A_229 : memref<1x128x128xf32, #tpu.memory_space<vmem>> -> memref<128x128xf32, #tpu.memory_space<vmem>>
      tpu.enqueue_dma source(%dma_start3A_230 : memref<128x128xf32, #tpu.memory_space<vmem>>) target(%dma_start3A_226 : memref<128x128xf32, #tpu.memory_space<hbm>>) target_semaphore(%arg8 : memref<!tpu.dma_semaphore, #tpu.memory_space<semaphore_mem>>)
      %mul3A_231 = arith.constant 5 : i32
      %mul3A_232 = arith.muli %scan3A_72, %mul3A_231 : i32
      %add3A_233 = arith.constant 2 : i32
      %add3A_234 = arith.addi %mul3A_232, %add3A_233 : i32
      %dma_wait3A_235 = arith.constant 2 : i32
      %dma_wait3A_236 = arith.constant 0 : i32
      %dma_wait3A_237 = arith.constant 0 : i32
      %dma_wait3A_238 = tpu.memref_slice %arg6[%dma_wait3A_235, %dma_wait3A_236, %dma_wait3A_237] : memref<5x128x128xf32, #tpu.memory_space<vmem>> -> memref<1x128x128xf32, #tpu.memory_space<vmem>>
      %dma_wait3A_239 = tpu.memref_squeeze %dma_wait3A_238 : memref<1x128x128xf32, #tpu.memory_space<vmem>> -> memref<128x128xf32, #tpu.memory_space<vmem>>
      %dma_wait3A_240 = arith.constant 0 : i32
      %dma_wait3A_241 = tpu.memref_slice %arg5[%add3A_234, %dma_wait3A_240] : memref<200x128xi32, #tpu.memory_space<vmem>> -> memref<1x128xi32, #tpu.memory_space<vmem>>
      %dma_wait3A_242 = tpu.memref_squeeze %dma_wait3A_241 : memref<1x128xi32, #tpu.memory_space<vmem>> -> memref<128xi32, #tpu.memory_space<vmem>>
      %dma_wait3A_243 = arith.constant 0 : i32
      %dma_wait3A_244 = arith.constant 0 : i32
      %dma_wait3A_245 = tpu.memref_slice %arg3[%dma_wait3A_243, %dma_wait3A_244] : memref<100000x128xf32, #tpu.memory_space<hbm>> -> memref<100000x128xf32, #tpu.memory_space<hbm>>
      tpu.wait_indirect_dma semaphore(%arg7 : memref<!tpu.dma_semaphore, #tpu.memory_space<semaphore_mem>>) src(%dma_wait3A_245 : memref<100000x128xf32, #tpu.memory_space<hbm>>) dst(%dma_wait3A_239 : memref<128x128xf32, #tpu.memory_space<vmem>>)
      %mul3A_246 = arith.constant 128 : i32
      %mul3A_247 = arith.muli %add3A_234, %mul3A_246 : i32
      %add3A_248 = arith.addi %mul3A_2, %mul3A_247 : i32
      %dma_start3A_249 = arith.constant 2 : i32
      %dma_start3A_250 = arith.constant 0 : i32
      %dma_start3A_251 = arith.constant 0 : i32
      %dma_start3A_252 = tpu.memref_slice %arg6[%dma_start3A_249, %dma_start3A_250, %dma_start3A_251] : memref<5x128x128xf32, #tpu.memory_space<vmem>> -> memref<1x128x128xf32, #tpu.memory_space<vmem>>
      %dma_start3A_253 = tpu.memref_squeeze %dma_start3A_252 : memref<1x128x128xf32, #tpu.memory_space<vmem>> -> memref<128x128xf32, #tpu.memory_space<vmem>>
      %dma_start3A_254 = arith.constant 0 : i32
      %dma_start3A_255 = tpu.memref_slice %arg4[%add3A_248, %dma_start3A_254] : memref<819200x128xf32, #tpu.memory_space<hbm>> -> memref<128x128xf32, #tpu.memory_space<hbm>>
      %dma_start3A_256 = arith.constant 0 : i32
      %dma_start3A_257 = tpu.memref_slice %arg4[%add3A_248, %dma_start3A_256] : memref<819200x128xf32, #tpu.memory_space<hbm>> -> memref<128x128xf32, #tpu.memory_space<hbm>>
      %dma_start3A_258 = arith.constant 0 : i32
      %dma_start3A_259 = arith.constant 0 : i32
      %dma_start3A_260 = tpu.memref_slice %arg6[%dma_start3A_249, %dma_start3A_258, %dma_start3A_259] : memref<5x128x128xf32, #tpu.memory_space<vmem>> -> memref<1x128x128xf32, #tpu.memory_space<vmem>>
      %dma_start3A_261 = tpu.memref_squeeze %dma_start3A_260 : memref<1x128x128xf32, #tpu.memory_space<vmem>> -> memref<128x128xf32, #tpu.memory_space<vmem>>
      tpu.enqueue_dma source(%dma_start3A_261 : memref<128x128xf32, #tpu.memory_space<vmem>>) target(%dma_start3A_257 : memref<128x128xf32, #tpu.memory_space<hbm>>) target_semaphore(%arg8 : memref<!tpu.dma_semaphore, #tpu.memory_space<semaphore_mem>>)
      %mul3A_262 = arith.constant 5 : i32
      %mul3A_263 = arith.muli %scan3A_72, %mul3A_262 : i32
      %add3A_264 = arith.constant 3 : i32
      %add3A_265 = arith.addi %mul3A_263, %add3A_264 : i32
      %dma_wait3A_266 = arith.constant 3 : i32
      %dma_wait3A_267 = arith.constant 0 : i32
      %dma_wait3A_268 = arith.constant 0 : i32
      %dma_wait3A_269 = tpu.memref_slice %arg6[%dma_wait3A_266, %dma_wait3A_267, %dma_wait3A_268] : memref<5x128x128xf32, #tpu.memory_space<vmem>> -> memref<1x128x128xf32, #tpu.memory_space<vmem>>
      %dma_wait3A_270 = tpu.memref_squeeze %dma_wait3A_269 : memref<1x128x128xf32, #tpu.memory_space<vmem>> -> memref<128x128xf32, #tpu.memory_space<vmem>>
      %dma_wait3A_271 = arith.constant 0 : i32
      %dma_wait3A_272 = tpu.memref_slice %arg5[%add3A_265, %dma_wait3A_271] : memref<200x128xi32, #tpu.memory_space<vmem>> -> memref<1x128xi32, #tpu.memory_space<vmem>>
      %dma_wait3A_273 = tpu.memref_squeeze %dma_wait3A_272 : memref<1x128xi32, #tpu.memory_space<vmem>> -> memref<128xi32, #tpu.memory_space<vmem>>
      %dma_wait3A_274 = arith.constant 0 : i32
      %dma_wait3A_275 = arith.constant 0 : i32
      %dma_wait3A_276 = tpu.memref_slice %arg3[%dma_wait3A_274, %dma_wait3A_275] : memref<100000x128xf32, #tpu.memory_space<hbm>> -> memref<100000x128xf32, #tpu.memory_space<hbm>>
      tpu.wait_indirect_dma semaphore(%arg7 : memref<!tpu.dma_semaphore, #tpu.memory_space<semaphore_mem>>) src(%dma_wait3A_276 : memref<100000x128xf32, #tpu.memory_space<hbm>>) dst(%dma_wait3A_270 : memref<128x128xf32, #tpu.memory_space<vmem>>)
      %mul3A_277 = arith.constant 128 : i32
      %mul3A_278 = arith.muli %add3A_265, %mul3A_277 : i32
      %add3A_279 = arith.addi %mul3A_2, %mul3A_278 : i32
      %dma_start3A_280 = arith.constant 3 : i32
      %dma_start3A_281 = arith.constant 0 : i32
      %dma_start3A_282 = arith.constant 0 : i32
      %dma_start3A_283 = tpu.memref_slice %arg6[%dma_start3A_280, %dma_start3A_281, %dma_start3A_282] : memref<5x128x128xf32, #tpu.memory_space<vmem>> -> memref<1x128x128xf32, #tpu.memory_space<vmem>>
      %dma_start3A_284 = tpu.memref_squeeze %dma_start3A_283 : memref<1x128x128xf32, #tpu.memory_space<vmem>> -> memref<128x128xf32, #tpu.memory_space<vmem>>
      %dma_start3A_285 = arith.constant 0 : i32
      %dma_start3A_286 = tpu.memref_slice %arg4[%add3A_279, %dma_start3A_285] : memref<819200x128xf32, #tpu.memory_space<hbm>> -> memref<128x128xf32, #tpu.memory_space<hbm>>
      %dma_start3A_287 = arith.constant 0 : i32
      %dma_start3A_288 = tpu.memref_slice %arg4[%add3A_279, %dma_start3A_287] : memref<819200x128xf32, #tpu.memory_space<hbm>> -> memref<128x128xf32, #tpu.memory_space<hbm>>
      %dma_start3A_289 = arith.constant 0 : i32
      %dma_start3A_290 = arith.constant 0 : i32
      %dma_start3A_291 = tpu.memref_slice %arg6[%dma_start3A_280, %dma_start3A_289, %dma_start3A_290] : memref<5x128x128xf32, #tpu.memory_space<vmem>> -> memref<1x128x128xf32, #tpu.memory_space<vmem>>
      %dma_start3A_292 = tpu.memref_squeeze %dma_start3A_291 : memref<1x128x128xf32, #tpu.memory_space<vmem>> -> memref<128x128xf32, #tpu.memory_space<vmem>>
      tpu.enqueue_dma source(%dma_start3A_292 : memref<128x128xf32, #tpu.memory_space<vmem>>) target(%dma_start3A_288 : memref<128x128xf32, #tpu.memory_space<hbm>>) target_semaphore(%arg8 : memref<!tpu.dma_semaphore, #tpu.memory_space<semaphore_mem>>)
      %mul3A_293 = arith.constant 5 : i32
      %mul3A_294 = arith.muli %scan3A_72, %mul3A_293 : i32
      %add3A_295 = arith.constant 4 : i32
      %add3A_296 = arith.addi %mul3A_294, %add3A_295 : i32
      %dma_wait3A_297 = arith.constant 4 : i32
      %dma_wait3A_298 = arith.constant 0 : i32
      %dma_wait3A_299 = arith.constant 0 : i32
      %dma_wait3A_300 = tpu.memref_slice %arg6[%dma_wait3A_297, %dma_wait3A_298, %dma_wait3A_299] : memref<5x128x128xf32, #tpu.memory_space<vmem>> -> memref<1x128x128xf32, #tpu.memory_space<vmem>>
      %dma_wait3A_301 = tpu.memref_squeeze %dma_wait3A_300 : memref<1x128x128xf32, #tpu.memory_space<vmem>> -> memref<128x128xf32, #tpu.memory_space<vmem>>
      %dma_wait3A_302 = arith.constant 0 : i32
      %dma_wait3A_303 = tpu.memref_slice %arg5[%add3A_296, %dma_wait3A_302] : memref<200x128xi32, #tpu.memory_space<vmem>> -> memref<1x128xi32, #tpu.memory_space<vmem>>
      %dma_wait3A_304 = tpu.memref_squeeze %dma_wait3A_303 : memref<1x128xi32, #tpu.memory_space<vmem>> -> memref<128xi32, #tpu.memory_space<vmem>>
      %dma_wait3A_305 = arith.constant 0 : i32
      %dma_wait3A_306 = arith.constant 0 : i32
      %dma_wait3A_307 = tpu.memref_slice %arg3[%dma_wait3A_305, %dma_wait3A_306] : memref<100000x128xf32, #tpu.memory_space<hbm>> -> memref<100000x128xf32, #tpu.memory_space<hbm>>
      tpu.wait_indirect_dma semaphore(%arg7 : memref<!tpu.dma_semaphore, #tpu.memory_space<semaphore_mem>>) src(%dma_wait3A_307 : memref<100000x128xf32, #tpu.memory_space<hbm>>) dst(%dma_wait3A_301 : memref<128x128xf32, #tpu.memory_space<vmem>>)
      %mul3A_308 = arith.constant 128 : i32
      %mul3A_309 = arith.muli %add3A_296, %mul3A_308 : i32
      %add3A_310 = arith.addi %mul3A_2, %mul3A_309 : i32
      %dma_start3A_311 = arith.constant 4 : i32
      %dma_start3A_312 = arith.constant 0 : i32
      %dma_start3A_313 = arith.constant 0 : i32
      %dma_start3A_314 = tpu.memref_slice %arg6[%dma_start3A_311, %dma_start3A_312, %dma_start3A_313] : memref<5x128x128xf32, #tpu.memory_space<vmem>> -> memref<1x128x128xf32, #tpu.memory_space<vmem>>
      %dma_start3A_315 = tpu.memref_squeeze %dma_start3A_314 : memref<1x128x128xf32, #tpu.memory_space<vmem>> -> memref<128x128xf32, #tpu.memory_space<vmem>>
      %dma_start3A_316 = arith.constant 0 : i32
      %dma_start3A_317 = tpu.memref_slice %arg4[%add3A_310, %dma_start3A_316] : memref<819200x128xf32, #tpu.memory_space<hbm>> -> memref<128x128xf32, #tpu.memory_space<hbm>>
      %dma_start3A_318 = arith.constant 0 : i32
      %dma_start3A_319 = tpu.memref_slice %arg4[%add3A_310, %dma_start3A_318] : memref<819200x128xf32, #tpu.memory_space<hbm>> -> memref<128x128xf32, #tpu.memory_space<hbm>>
      %dma_start3A_320 = arith.constant 0 : i32
      %dma_start3A_321 = arith.constant 0 : i32
      %dma_start3A_322 = tpu.memref_slice %arg6[%dma_start3A_311, %dma_start3A_320, %dma_start3A_321] : memref<5x128x128xf32, #tpu.memory_space<vmem>> -> memref<1x128x128xf32, #tpu.memory_space<vmem>>
      %dma_start3A_323 = tpu.memref_squeeze %dma_start3A_322 : memref<1x128x128xf32, #tpu.memory_space<vmem>> -> memref<128x128xf32, #tpu.memory_space<vmem>>
      tpu.enqueue_dma source(%dma_start3A_323 : memref<128x128xf32, #tpu.memory_space<vmem>>) target(%dma_start3A_319 : memref<128x128xf32, #tpu.memory_space<hbm>>) target_semaphore(%arg8 : memref<!tpu.dma_semaphore, #tpu.memory_space<semaphore_mem>>)
    }
    %scan3A_7 = arith.constant 40 : i32
    %dma_wait3A = arith.constant 0 : i32
    %dma_wait3A_8 = arith.constant 0 : i32
    %dma_wait3A_9 = arith.constant 0 : i32
    %dma_wait3A_10 = tpu.memref_slice %arg6[%dma_wait3A, %dma_wait3A_8, %dma_wait3A_9] : memref<5x128x128xf32, #tpu.memory_space<vmem>> -> memref<1x128x128xf32, #tpu.memory_space<vmem>>
    %dma_wait3A_11 = tpu.memref_squeeze %dma_wait3A_10 : memref<1x128x128xf32, #tpu.memory_space<vmem>> -> memref<128x128xf32, #tpu.memory_space<vmem>>
    %dma_wait3A_12 = arith.constant 0 : i32
    %dma_wait3A_13 = tpu.memref_slice %arg4[%mul3A_2, %dma_wait3A_12] : memref<819200x128xf32, #tpu.memory_space<hbm>> -> memref<128x128xf32, #tpu.memory_space<hbm>>
    %dma_wait3A_14 = arith.constant 0 : i32
    %dma_wait3A_15 = tpu.memref_slice %arg4[%mul3A_2, %dma_wait3A_14] : memref<819200x128xf32, #tpu.memory_space<hbm>> -> memref<128x128xf32, #tpu.memory_space<hbm>>
    %dma_wait3A_16 = arith.constant 0 : i32
    %dma_wait3A_17 = arith.constant 0 : i32
    %dma_wait3A_18 = tpu.memref_slice %arg6[%dma_wait3A, %dma_wait3A_16, %dma_wait3A_17] : memref<5x128x128xf32, #tpu.memory_space<vmem>> -> memref<1x128x128xf32, #tpu.memory_space<vmem>>
    %dma_wait3A_19 = tpu.memref_squeeze %dma_wait3A_18 : memref<1x128x128xf32, #tpu.memory_space<vmem>> -> memref<128x128xf32, #tpu.memory_space<vmem>>
    tpu.wait_dma2 semaphore(%arg8 : memref<!tpu.dma_semaphore, #tpu.memory_space<semaphore_mem>>) src(%dma_wait3A_19 : memref<128x128xf32, #tpu.memory_space<vmem>>) dst(%dma_wait3A_15 : memref<128x128xf32, #tpu.memory_space<hbm>>)
    %dma_wait3A_20 = arith.constant 1 : i32
    %dma_wait3A_21 = arith.constant 0 : i32
    %dma_wait3A_22 = arith.constant 0 : i32
    %dma_wait3A_23 = tpu.memref_slice %arg6[%dma_wait3A_20, %dma_wait3A_21, %dma_wait3A_22] : memref<5x128x128xf32, #tpu.memory_space<vmem>> -> memref<1x128x128xf32, #tpu.memory_space<vmem>>
    %dma_wait3A_24 = tpu.memref_squeeze %dma_wait3A_23 : memref<1x128x128xf32, #tpu.memory_space<vmem>> -> memref<128x128xf32, #tpu.memory_space<vmem>>
    %dma_wait3A_25 = arith.constant 0 : i32
    %dma_wait3A_26 = tpu.memref_slice %arg4[%mul3A_2, %dma_wait3A_25] : memref<819200x128xf32, #tpu.memory_space<hbm>> -> memref<128x128xf32, #tpu.memory_space<hbm>>
    %dma_wait3A_27 = arith.constant 0 : i32
    %dma_wait3A_28 = tpu.memref_slice %arg4[%mul3A_2, %dma_wait3A_27] : memref<819200x128xf32, #tpu.memory_space<hbm>> -> memref<128x128xf32, #tpu.memory_space<hbm>>
    %dma_wait3A_29 = arith.constant 0 : i32
    %dma_wait3A_30 = arith.constant 0 : i32
    %dma_wait3A_31 = tpu.memref_slice %arg6[%dma_wait3A_20, %dma_wait3A_29, %dma_wait3A_30] : memref<5x128x128xf32, #tpu.memory_space<vmem>> -> memref<1x128x128xf32, #tpu.memory_space<vmem>>
    %dma_wait3A_32 = tpu.memref_squeeze %dma_wait3A_31 : memref<1x128x128xf32, #tpu.memory_space<vmem>> -> memref<128x128xf32, #tpu.memory_space<vmem>>
    tpu.wait_dma2 semaphore(%arg8 : memref<!tpu.dma_semaphore, #tpu.memory_space<semaphore_mem>>) src(%dma_wait3A_32 : memref<128x128xf32, #tpu.memory_space<vmem>>) dst(%dma_wait3A_28 : memref<128x128xf32, #tpu.memory_space<hbm>>)
    %dma_wait3A_33 = arith.constant 2 : i32
    %dma_wait3A_34 = arith.constant 0 : i32
    %dma_wait3A_35 = arith.constant 0 : i32
    %dma_wait3A_36 = tpu.memref_slice %arg6[%dma_wait3A_33, %dma_wait3A_34, %dma_wait3A_35] : memref<5x128x128xf32, #tpu.memory_space<vmem>> -> memref<1x128x128xf32, #tpu.memory_space<vmem>>
    %dma_wait3A_37 = tpu.memref_squeeze %dma_wait3A_36 : memref<1x128x128xf32, #tpu.memory_space<vmem>> -> memref<128x128xf32, #tpu.memory_space<vmem>>
    %dma_wait3A_38 = arith.constant 0 : i32
    %dma_wait3A_39 = tpu.memref_slice %arg4[%mul3A_2, %dma_wait3A_38] : memref<819200x128xf32, #tpu.memory_space<hbm>> -> memref<128x128xf32, #tpu.memory_space<hbm>>
    %dma_wait3A_40 = arith.constant 0 : i32
    %dma_wait3A_41 = tpu.memref_slice %arg4[%mul3A_2, %dma_wait3A_40] : memref<819200x128xf32, #tpu.memory_space<hbm>> -> memref<128x128xf32, #tpu.memory_space<hbm>>
    %dma_wait3A_42 = arith.constant 0 : i32
    %dma_wait3A_43 = arith.constant 0 : i32
    %dma_wait3A_44 = tpu.memref_slice %arg6[%dma_wait3A_33, %dma_wait3A_42, %dma_wait3A_43] : memref<5x128x128xf32, #tpu.memory_space<vmem>> -> memref<1x128x128xf32, #tpu.memory_space<vmem>>
    %dma_wait3A_45 = tpu.memref_squeeze %dma_wait3A_44 : memref<1x128x128xf32, #tpu.memory_space<vmem>> -> memref<128x128xf32, #tpu.memory_space<vmem>>
    tpu.wait_dma2 semaphore(%arg8 : memref<!tpu.dma_semaphore, #tpu.memory_space<semaphore_mem>>) src(%dma_wait3A_45 : memref<128x128xf32, #tpu.memory_space<vmem>>) dst(%dma_wait3A_41 : memref<128x128xf32, #tpu.memory_space<hbm>>)
    %dma_wait3A_46 = arith.constant 3 : i32
    %dma_wait3A_47 = arith.constant 0 : i32
    %dma_wait3A_48 = arith.constant 0 : i32
    %dma_wait3A_49 = tpu.memref_slice %arg6[%dma_wait3A_46, %dma_wait3A_47, %dma_wait3A_48] : memref<5x128x128xf32, #tpu.memory_space<vmem>> -> memref<1x128x128xf32, #tpu.memory_space<vmem>>
    %dma_wait3A_50 = tpu.memref_squeeze %dma_wait3A_49 : memref<1x128x128xf32, #tpu.memory_space<vmem>> -> memref<128x128xf32, #tpu.memory_space<vmem>>
    %dma_wait3A_51 = arith.constant 0 : i32
    %dma_wait3A_52 = tpu.memref_slice %arg4[%mul3A_2, %dma_wait3A_51] : memref<819200x128xf32, #tpu.memory_space<hbm>> -> memref<128x128xf32, #tpu.memory_space<hbm>>
    %dma_wait3A_53 = arith.constant 0 : i32
    %dma_wait3A_54 = tpu.memref_slice %arg4[%mul3A_2, %dma_wait3A_53] : memref<819200x128xf32, #tpu.memory_space<hbm>> -> memref<128x128xf32, #tpu.memory_space<hbm>>
    %dma_wait3A_55 = arith.constant 0 : i32
    %dma_wait3A_56 = arith.constant 0 : i32
    %dma_wait3A_57 = tpu.memref_slice %arg6[%dma_wait3A_46, %dma_wait3A_55, %dma_wait3A_56] : memref<5x128x128xf32, #tpu.memory_space<vmem>> -> memref<1x128x128xf32, #tpu.memory_space<vmem>>
    %dma_wait3A_58 = tpu.memref_squeeze %dma_wait3A_57 : memref<1x128x128xf32, #tpu.memory_space<vmem>> -> memref<128x128xf32, #tpu.memory_space<vmem>>
    tpu.wait_dma2 semaphore(%arg8 : memref<!tpu.dma_semaphore, #tpu.memory_space<semaphore_mem>>) src(%dma_wait3A_58 : memref<128x128xf32, #tpu.memory_space<vmem>>) dst(%dma_wait3A_54 : memref<128x128xf32, #tpu.memory_space<hbm>>)
    %dma_wait3A_59 = arith.constant 4 : i32
    %dma_wait3A_60 = arith.constant 0 : i32
    %dma_wait3A_61 = arith.constant 0 : i32
    %dma_wait3A_62 = tpu.memref_slice %arg6[%dma_wait3A_59, %dma_wait3A_60, %dma_wait3A_61] : memref<5x128x128xf32, #tpu.memory_space<vmem>> -> memref<1x128x128xf32, #tpu.memory_space<vmem>>
    %dma_wait3A_63 = tpu.memref_squeeze %dma_wait3A_62 : memref<1x128x128xf32, #tpu.memory_space<vmem>> -> memref<128x128xf32, #tpu.memory_space<vmem>>
    %dma_wait3A_64 = arith.constant 0 : i32
    %dma_wait3A_65 = tpu.memref_slice %arg4[%mul3A_2, %dma_wait3A_64] : memref<819200x128xf32, #tpu.memory_space<hbm>> -> memref<128x128xf32, #tpu.memory_space<hbm>>
    %dma_wait3A_66 = arith.constant 0 : i32
    %dma_wait3A_67 = tpu.memref_slice %arg4[%mul3A_2, %dma_wait3A_66] : memref<819200x128xf32, #tpu.memory_space<hbm>> -> memref<128x128xf32, #tpu.memory_space<hbm>>
    %dma_wait3A_68 = arith.constant 0 : i32
    %dma_wait3A_69 = arith.constant 0 : i32
    %dma_wait3A_70 = tpu.memref_slice %arg6[%dma_wait3A_59, %dma_wait3A_68, %dma_wait3A_69] : memref<5x128x128xf32, #tpu.memory_space<vmem>> -> memref<1x128x128xf32, #tpu.memory_space<vmem>>
    %dma_wait3A_71 = tpu.memref_squeeze %dma_wait3A_70 : memref<1x128x128xf32, #tpu.memory_space<vmem>> -> memref<128x128xf32, #tpu.memory_space<vmem>>
    tpu.wait_dma2 semaphore(%arg8 : memref<!tpu.dma_semaphore, #tpu.memory_space<semaphore_mem>>) src(%dma_wait3A_71 : memref<128x128xf32, #tpu.memory_space<vmem>>) dst(%dma_wait3A_67 : memref<128x128xf32, #tpu.memory_space<hbm>>)
    return
  }
}

</mosaic_0001>

<sc_bundles>
// kernel: kernel.3.cloned.1.call-start
scs
__scs_entry_jumppad:
0x0: {  	(pc) =	sbr.rel $0x88, $3  }
0x1: {  	(tag) =	ssettag $0x0;
	lr =	simm.s32 $0x1  }
0x2: {  	[smem:$0x3F9F] =	sst lr;
	_ =	strace $0xD0000000  }
0x3: {  	_ = 	snop  }
0x4: {  	_ = 	snop  }
0x5: {  	_ = 	snop  }
0x6: {  	_ = 	snop  }
0x7: {  	_ = 	snop  }
__scs_overlays_trampoline_lowered:
0x8: {  	[smem:$0x3FAE] =	sst s0  }
0x9: {  	[smem:$0x3FAF] =	sst s1  }
0xa: {  	[smem:$0x3FB0] =	sst s2  }
0xb: {  	[smem:$0x3FB1] =	sst s3  }
0xc: {  	[smem:$0x3FB2] =	sst s4  }
0xd: {  	[smem:$0x3FB3] =	sst s5  }
0xe: {  	[smem:$0x3FB4] =	sst s6  }
0xf: {  	[smem:$0x3FB5] =	sst s7  }
0x10: {  	[smem:$0x3FB6] =	sst s8  }
0x11: {  	[smem:$0x3FB7] =	sst s9;
	s0 =	simm.s32 @!p0 $0x0  }
0x12: {  	s1 =	sld [smem:$0x3F9D];
	s0 =	simm.s32 @p0 $0x1  }
0x13: {  	[smem:$0x3FB8] =	sst s0;
	s0 =	simm.s32 @!p1 $0x0  }
0x14: {  	s2 =	sld [smem:$0x3F9C];
	s0 =	simm.s32 @p1 $0x1  }
0x15: {  	[smem:$0x3FB9] =	sst s0;
	s0 =	simm.s32 @!p2 $0x0  }
0x16: {  	s3 =	sld [smem:$0x3FDB];
	s0 =	simm.s32 @p2 $0x1  }
0x17: {  	s4 =	simm.s32 $0x1BF5;
	[smem:$0x3FBB] =	sst s0  }
0x18: {  	s0 =	sld [smem:$0x3F9E];
	_ =	swait.ge [sflag:s4], $0x0  }
0x19: {  	s7 =	sld [smem:$0x3F9F]  }
0x1a: {  	s8 =	sadd.s32 $0xFFFFE003, lr  }
0x1b: {  	s9 =	sadd.s32 $0xFFFFFEF7, lr;
	s5 =	simm.s32 $0xFFFFFFFF;
	p2 =	slt.u32 s8, $0xFFFFF086  }
0x1c: {  	p1 =	slt.u32 s9, $0xF7A;
	s5 =	simm.s32 @!p2 $0x0  }
0x1d: {  	s5 =	simm.s32 @p1 $0x1;
	p0 =	seq.s32 s7, s2  }
0x1e: {  	s7 =	smul.u32 @!p0 $0xF7A, s2;
	p2 =	seq.s32 @!p0 s5, $0x0  }
0x1f: {  	s9 =	smul.u32 $0xF7A, s1;
	s8 =	simm.s32 @!p0 $0x1BF5;
	p2 =	por !p2, p0  }
0x20: {  	[sflag:s8] =	ssyncset.s32 @!p0 $0xFFFFF086;
	s6 =	sadd.s32 @!p0 s3, s7;
	s7 =	simm.s32 @!p0 $0x108  }
0x21: {  	s3 =	sadd.s32 s3, s9;
	s6 =	sadd.s32 @!p0 $0x88, s6;
	s7 =	simm.s32 @p2 $0x1082  }
0x22: {  	[simem:s7], [sflag:s8] =	dma.local @!p0 [hbm:s6], $0xF7A  }
0x23: {  	s9 =	sor.u32 $0xD0000000, s2;
	s6 =	simm.s32 $0x108;
	_ =	swait.ge @!p0 [sflag:s8], $0x0  }
0x24: {  	s3 =	sadd.s32 $0x88, s3;
	s6 =	simm.s32 @!p1 $0x1082;
	[sflag:s4] =	ssyncset.s32 $0xFFFFF086  }
0x25: {  	[simem:s6], [sflag:s4] =	dma.local [hbm:s3], $0xF7A  }
0x26: {  	[smem:$0x3F9F] =	sst s1;
	(tag) =	ssettag s2;
	_ =	strace s9  }
0x27: {  	s1 =	sld [smem:$0x3FAF]  }
0x28: {  	s2 =	sld [smem:$0x3FB0]  }
0x29: {  	s4 =	sld [smem:$0x3FB2]  }
0x2a: {  	p0 =	seq.s32 s5, $0x0;
	s5 =	sld [smem:$0x3FB3]  }
0x2b: {  	s6 =	sld [smem:$0x3FB4]  }
0x2c: {  	s7 =	sld [smem:$0x3FB5]  }
0x2d: {  	s3 =	simm.s32 $0x108;
	s8 =	sld [smem:$0x3FB6]  }
0x2e: {  	s3 =	simm.s32 @!p0 $0x1082;
	s9 =	sld [smem:$0x3FB7]  }
0x2f: {  	lr =	sadd.s32 s0, s3;
	s0 =	sld [smem:$0x3FAE]  }
0x30: {  	s3 =	sld [smem:$0x3FB1]  }
0x31: {  	[smem:$0x3FBA] =	sst s10  }
0x32: {  	s10 =	sld [smem:$0x3FB8];
	_ =	sdelay $0x3  }
0x33: {  	p0 =	seq.s32 s10, $0x1;
	s10 =	sld [smem:$0x3FBA];
	_ =	sdelay $0x3  }
0x34: {  	[smem:$0x3FBA] =	sst s10  }
0x35: {  	s10 =	sld [smem:$0x3FB9];
	_ =	sdelay $0x3  }
0x36: {  	p1 =	seq.s32 s10, $0x1;
	s10 =	sld [smem:$0x3FBA];
	_ =	sdelay $0x3  }
0x37: {  	[smem:$0x3FBA] =	sst s10  }
0x38: {  	s10 =	sld [smem:$0x3FBB]  }
0x39: {  	_ = 	snop;
	(pc) =	sbr.ind lr, $3  }
0x3a: {  	_ = 	snop  }
0x3b: {  	_ = 	snop  }
0x3c: {  	p2 =	seq.s32 s10, $0x1;
	s10 =	sld [smem:$0x3FBA]  }
0x3d: {  	_ =	shalt  }
0x3e: {  	_ =	shalt  }
0x3f: {  	_ =	shalt  }
0x40: {  	_ =	shalt  }
0x41: {  	_ =	shalt  }
0x42: {  	_ =	shalt  }
0x43: {  	_ =	shalt  }
0x44: {  	_ =	shalt  }
0x45: {  	_ =	shalt  }
0x46: {  	_ =	shalt  }
0x47: {  	_ =	shalt  }
0x48: {  	_ =	shalt  }
0x49: {  	_ =	shalt  }
0x4a: {  	_ =	shalt  }
0x4b: {  	_ =	shalt  }
0x4c: {  	_ =	shalt  }
0x4d: {  	_ =	shalt  }
0x4e: {  	_ =	shalt  }
0x4f: {  	_ =	shalt  }
0x50: {  	_ =	shalt  }
0x51: {  	_ =	shalt  }
0x52: {  	_ =	shalt  }
0x53: {  	_ =	shalt  }
0x54: {  	_ =	shalt  }
0x55: {  	_ =	shalt  }
0x56: {  	_ =	shalt  }
0x57: {  	_ =	shalt  }
0x58: {  	_ =	shalt  }
0x59: {  	_ =	shalt  }
0x5a: {  	_ =	shalt  }
0x5b: {  	_ =	shalt  }
0x5c: {  	_ =	shalt  }
0x5d: {  	_ =	shalt  }
0x5e: {  	_ =	shalt  }
0x5f: {  	_ =	shalt  }
0x60: {  	_ =	shalt  }
0x61: {  	_ =	shalt  }
0x62: {  	_ =	shalt  }
0x63: {  	_ =	shalt  }
0x64: {  	_ =	shalt  }
0x65: {  	_ =	shalt  }
0x66: {  	_ =	shalt  }
0x67: {  	_ =	shalt  }
0x68: {  	_ =	shalt  }
0x69: {  	_ =	shalt  }
0x6a: {  	_ =	shalt  }
0x6b: {  	_ =	shalt  }
0x6c: {  	_ =	shalt  }
0x6d: {  	_ =	shalt  }
0x6e: {  	_ =	shalt  }
0x6f: {  	_ =	shalt  }
0x70: {  	_ =	shalt  }
0x71: {  	_ =	shalt  }
0x72: {  	_ =	shalt  }
0x73: {  	_ =	shalt  }
0x74: {  	_ =	shalt  }
0x75: {  	_ =	shalt  }
0x76: {  	_ =	shalt  }
0x77: {  	_ =	shalt  }
0x78: {  	_ =	shalt  }
0x79: {  	_ =	shalt  }
0x7a: {  	_ =	shalt  }
0x7b: {  	_ =	shalt  }
0x7c: {  	_ =	shalt  }
0x7d: {  	_ =	shalt  }
0x7e: {  	_ =	shalt  }
0x7f: {  	_ =	shalt  }
0x80: {  	_ =	shalt  }
0x81: {  	_ =	shalt  }
0x82: {  	_ =	shalt  }
0x83: {  	_ =	shalt  }
0x84: {  	_ =	shalt  }
0x85: {  	_ =	shalt  }
0x86: {  	_ =	shalt  }
0x87: {  	_ =	shalt  }
.Lfunc_end0:
.L_simem_size_0:
called_computation_lowered:
.L_overlay_start_0:
0x88: {  	s2 =	sld [smem:$0x3FD9]  }
0x89: {  	s3 =	sld [smem:$0x3FFE];
	_ =	sdelay $0x1  }
0x8a: {  	s1 =	srdreg.scid  }
0x8b: {  	s0 =	sand.u32 $0x1, s1  }
0x8c: {  	s17 =	sshll.u32 s0, $0xA;
	s2 =	sadd.s32 s3, s2  }
0x8d: {  	s2 =	sadd.s32 s2, s17  }
0x8e: {  	[smem:$0x3FC6] =	sst s2  }
0x8f: {  	_ = 	snop  }
0x90: {  	s2 =	sld [smem:$0x3FC8]  }
0x91: {  	s18 =	sld [smem:$0x3FD0];
	(tm) =	ssettm $0x1  }
0x92: {  	s4 =	sld [smem:$0x3FFB];
	_ =	sdelay $0x3  }
0x93: {  	_ =	strace s4  }
0x94: {  	s4 =	sld [smem:$0x3FFC];
	_ =	sdelay $0x3  }
0x95: {  	_ =	strace s4  }
0x96: {  	s4 =	sld [smem:$0x3FFD];
	_ =	sdelay $0x3  }
0x97: {  	_ =	strace s4  }
0x98: {  	_ =	strace $0x8FFFFFFF  }
0x99: {  	s19 =	sld [smem:$0x3FDB];
	_ =	sdelay $0x1  }
0x9a: {  	s5 =	simm.s32 $_scs_section_size  }
0x9b: {  	s6 =	simm.s32 $_size__tile_overlayer_lowered;
	s7 =	simm.s32 $_tile_overlayer_lowered  }
0x9c: {  	s22 =	simm.s32 $0x1BFF;
	s21 =	sshll.u32 s7, $0x1;
	s4 =	sadd.s32 s5, s19  }
0x9d: {  	s8 =	simm.s32 $0x0;
	s20 =	sshll.u32 s6, $0x1;
	s6 =	sadd.s32 s21, s4  }
0x9e: {  	[timem:s8], [sflag:s22] =	dma.local [hbm:s6], s20  }
0x9f: {  	_ =	swait.ge [sflag:s22], s20  }
0xa0: {  	s5 =	ssub.s32 $0x0, s20;
	[sflag:s22] =	ssyncset.done $0x0  }
0xa1: {  	[sflag:s22] =	ssyncadd.s32 s5;
	_ =	sdelay $0x1  }
0xa2: {  	s23 =	simm.s32 $0x1B8B  }
0xa3: {  	_ =	swait.ge [sflag:s23], $0x1  }
0xa4: {  	[sflag:s23] =	ssyncset.done $0x0  }
0xa5: {  	s25 =	simm.s32 $0x1B8E;
	s24 =	sld [smem:$0x3FFE];
	[sflag:s23] =	ssyncadd.s32 $0xFFFFFFFF  }
0xa6: {  	s26 =	simm.s32 $execute0_lowered;
	[smem:$0x3FD2] =	sst s25  }
0xa7: {  	s6 =	sshll.u32 s26, $0x1;
	_ =	strace $0x80000046;
	[dreg:$0x1] =	wrdreg $0xFFFFFFFF  }
0xa8: {  	s28 =	simm.s32 $_size_execute0_lowered;
	s4 =	sadd.s32 s4, s6;
	[dreg:$0x0] =	wrdreg $0x0  }
0xa9: {  	s6 =	sshll.u32 s28, $0x1;
	[dreg:$0x2] =	wrdreg s4  }
0xaa: {  	[dreg:$0x3] =	wrdreg s6  }
0xab: {  	[dreg:$0x4] =	wrdreg $0xC0  }
0xac: {  	_ =	task [dreg:s8], $0x5FFFF  }
0xad: {  	[dreg:$0x1] =	wrdreg $0xFFFFFFFF  }
0xae: {  	[dreg:$0x0] =	wrdreg $0x60  }
0xaf: {  	[dreg:$0x2] =	wrdreg s24  }
0xb0: {  	[dreg:$0x3] =	wrdreg s2  }
0xb1: {  	[dreg:$0x4] =	wrdreg s18  }
0xb2: {  	[dreg:$0x5] =	wrdreg $0x9  }
0xb3: {  	_ =	task.clear_ibuf [dreg:s8], $0x6FFFF;
	_ =	strace $0x90000046  }
0xb4: {  	s29 =	simm.s32 $0x9;
	_ =	strace $0x80000048  }
0xb5: {  	_ =	swait.ge [sflag:s29], $0x1  }
0xb6: {  	[sflag:s29] =	ssyncadd.s32 $0xFFFFFFFF  }
0xb7: {  	_ =	strace $0x90000048  }
0xb8: {  	_ =	sfence  }
0xb9: {  	s30 =	sld [smem:$0x0];
	_ =	sdelay $0x2  }
0xba: {  	s31 =	sshll.u32 s1, $0xD;
	s1 =	sshrl.u32 s1, $0x2  }
0xbb: {  	s3 =	sand.u32 $0x4000, s31;
	s1 =	sadd.s32 s1, s30  }
0xbc: {  	s0 =	sor.u32 s3, s0;
	s1 =	sshll.u32 s1, $0x11  }
0xbd: {  	s0 =	sor.u32 s1, s0  }
0xbe: {  	s0 =	sadd.s32 $0x8F2B, s0  }
0xbf: {  	[sflag:s0] =	ssyncadd.remote.s32 $0x1  }
0xc0: {  	_ =	sfence.sel $0xFFFF  }
0xc1: {  	[dreg:$0x0] =	wrdreg $0xFFFFFFFF;
	(pc) =	sbr.abs _section_cstart, $3  }
0xc2: {  	[dreg:$0x1] =	wrdreg $0xFFFFFFFF  }
0xc3: {  	_ =	task.clear_ibuf [dreg:s8], $0x2FFFF;
	_ =	strace $0x9FFFFFFF  }
0xc4: {  	(tm) =	ssettm $0x7FFFFFFF  }
0xc5: {  	_ =	shalt  }
tec
execute0_lowered:
.L_overlay_start_1:
0x0: {  	(tag) =	ssettag $0x1  }
0x1: {  	s6 =	rddreg [dreg:$0x0]  }
0x2: {  	s1 =	srdreg.scid;
	s2 =	rddreg [dreg:$0x1]  }
0x3: {  	s0 =	stileid.u32;
	s3 =	rddreg [dreg:$0x2]  }
0x4: {  	s5 =	simm.s32 $0x0;
	s7 =	sand.u32 $0x1, s1;
	s28 =	sshll.u32 s0, $0x1  }
0x5: {  	s30 =	simm.s32 $0x80;
	[smem:$0x7FF] =	sst s5;
	s1 =	sor.u32 s7, s28  }
0x6: {  	s9 =	simm.s32 $0x6400;
	s4 =	smul.u32 $0x6400, s1;
	s1 =	rddreg [dreg:$0x3]  }
0x7: {  	s10 =	simm.s32 $0xA400;
	_ =	strace $0x80000047;
	[dreg:$0x4] =	wrdreg s30  }
0x8: {  	s11 =	simm.s32 $0xE400;
	s31 =	simm.s32 $0x12400;
	[dreg:$0x5] =	wrdreg s9  }
0x9: {  	s12 =	simm.s32 $0x0;
	s7 =	ssub.s32 $0x2, s7;
	[dreg:$0x6] =	wrdreg s10  }
0xa: {  	s29 =	sshrl.u32 s7, $0x1;
	s9 =	simm.s32 $0x16400;
	[dreg:$0x7] =	wrdreg s11  }
0xb: {  	s10 =	simm.s32 $0x1;
	[dreg:$0x8] =	wrdreg s31;
	s8 =	sshrl.u32 s4, $0x3  }
0xc: {  	s11 =	simm.s32 $0x2;
	s7 =	ssub.s32 s7, s29;
	s6 =	sadd.s32 s8, s6  }
0xd: {  	s7 =	smax.u32 s7, $0x1;
	s8 =	simm.s32 $0x3;
	s6 =	sadd.s32 $0x400, s6  }
.LBB2_1:
0xe: {  	[tilespmem:s5], [sflag:$0x3] =	stream.linear.gather [hbm4b:s6+s5], $0x6400, $0x38;
	[tilespmem:$0x1A400] =	vst v63  }
0xf: {  	_ =	swait.ge [sflag:s8], $0x6400  }
0x10: {  	p0 =	por $0x0, $0x0;
	[sflag:s8] =	ssyncset.done $0x0  }
0x11: {  	s13 =	simm.s32 @p0 $0x2;
	[sflag:s8] =	ssyncadd.s32 $0xFFFF9C00  }
0x12: {  	_ =	swait.ge @p0 [sflag:s13], $0x4000  }
0x13: {  	[sflag:s13] =	ssyncset.done @p0 $0x0  }
0x14: {  	s14 =	simm.s32 @p0 $0x80;
	s15 =	simm.s32 @p0 $0x6400;
	[sflag:s13] =	ssyncadd.s32 @p0 $0xFFFFC000  }
0x15: {  	[tilespmem:s15], [sflag:$0x1] =	stream.indirect.gather @p0 [hbm4b:s2+s14], $0x80, s5, s14, $0xb8;
	[tilespmem:$0x1A400] =	vst v63  }
0x16: {  	_ =	swait.ge @p0 [sflag:s13], $0x4000  }
0x17: {  	[sflag:s13] =	ssyncset.done @p0 $0x0  }
0x18: {  	s16 =	simm.s32 @p0 $0xA400;
	s15 =	simm.s32 @p0 $0x80;
	[sflag:s13] =	ssyncadd.s32 @p0 $0xFFFFC000  }
0x19: {  	[tilespmem:s16], [sflag:$0x1] =	stream.indirect.gather @p0 [hbm4b:s2+s14], $0x80, s15, s14, $0xb8;
	[tilespmem:$0x1A400] =	vst v63  }
0x1a: {  	_ =	swait.ge @p0 [sflag:s13], $0x4000  }
0x1b: {  	[sflag:s13] =	ssyncset.done @p0 $0x0  }
0x1c: {  	s15 =	simm.s32 @p0 $0x100;
	s16 =	simm.s32 @p0 $0xE400;
	[sflag:s13] =	ssyncadd.s32 @p0 $0xFFFFC000  }
0x1d: {  	[tilespmem:s16], [sflag:$0x1] =	stream.indirect.gather @p0 [hbm4b:s2+s14], $0x80, s15, s14, $0xb8;
	[tilespmem:$0x1A400] =	vst v63  }
0x1e: {  	_ =	swait.ge @p0 [sflag:s13], $0x4000  }
0x1f: {  	[sflag:s13] =	ssyncset.done @p0 $0x0  }
0x20: {  	s15 =	simm.s32 @p0 $0x180;
	s16 =	simm.s32 @p0 $0x12400;
	[sflag:s13] =	ssyncadd.s32 @p0 $0xFFFFC000  }
0x21: {  	[tilespmem:s16], [sflag:$0x1] =	stream.indirect.gather @p0 [hbm4b:s2+s14], $0x80, s15, s14, $0xb8;
	[tilespmem:$0x1A400] =	vst v63  }
0x22: {  	_ =	swait.ge @p0 [sflag:s13], $0x4000  }
0x23: {  	s14 =	simm.s32 @!p0 $0x80;
	[sflag:s13] =	ssyncset.done @p0 $0x0  }
0x24: {  	s15 =	simm.s32 @!p0 $0x0;
	[sflag:s13] =	ssyncadd.s32 @p0 $0xFFFFC000;
	s13 =	simm.s32 @!p0 $0x6400  }
0x25: {  	[tilespmem:s13], [sflag:$0x1] =	stream.indirect.gather @!p0 [hbm4b:s2+s14], $0x80, s15, s14, $0xb8;
	[tilespmem:$0x1A400] =	vst v63  }
0x26: {  	s13 =	simm.s32 @p0 $0x0  }
0x27: {  	s15 =	simm.s32 @!p0 $0xA400;
	s13 =	simm.s32 @!p0 $0x0  }
0x28: {  	[tilespmem:s15], [sflag:$0x1] =	stream.indirect.gather @!p0 [hbm4b:s2+s14], $0x80, s14, s14, $0xb8;
	[tilespmem:$0x1A400] =	vst v63  }
0x29: {  	s16 =	simm.s32 @!p0 $0xE400;
	s15 =	simm.s32 @!p0 $0x100;
	s23 =	sadd.s32 $0x200, s13  }
0x2a: {  	[tilespmem:s16], [sflag:$0x1] =	stream.indirect.gather @!p0 [hbm4b:s2+s14], $0x80, s15, s14, $0xb8;
	[tilespmem:$0x1A400] =	vst v63  }
0x2b: {  	s13 =	sadd.s32 s4, s13;
	s15 =	simm.s32 @!p0 $0x180;
	s16 =	simm.s32 @!p0 $0x12400  }
0x2c: {  	[tilespmem:s16], [sflag:$0x1] =	stream.indirect.gather @!p0 [hbm4b:s2+s14], $0x80, s15, s14, $0xb8;
	[tilespmem:$0x1A400] =	vst v63  }
0x2d: {  	s17 =	rddreg [dreg:$0x4];
	s13 =	sshll.u32 s13, $0x4  }
0x2e: {  	[tilespmem:s9], [sflag:$0x1] =	stream.indirect.gather [hbm4b:s2+s17], $0x80, s23, s17, $0xb8;
	[tilespmem:$0x1A400] =	vst v63  }
0x2f: {  	s13 =	sadd.s32 s3, s13;
	s16 =	simm.s32 @p0 $0x80;
	_ =	swait.ge [sflag:s10], $0x4000  }
0x30: {  	s14 =	sadd.s32 s4, s23;
	s15 =	simm.s32 $0x680;
	[sflag:s10] =	ssyncset.done $0x0  }
0x31: {  	s16 =	simm.s32 @!p0 $0x80;
	s24 =	rddreg [dreg:$0x5];
	[sflag:s10] =	ssyncadd.s32 $0xFFFFC000  }
0x32: {  	[hbm4b:s13+s5] =	stream.linear.scatter [tilespmem:s24], [sflag:$0x2], $0x4000, $0x38;
	[tilespmem:$0x1A400] =	vst v63  }
0x33: {  	s25 =	sadd.s32 s4, s16;
	s16 =	simm.s32 @p0 $0x100;
	_ =	swait.ge [sflag:s10], $0x4000  }
0x34: {  	s16 =	simm.s32 @!p0 $0x100;
	s13 =	sshll.u32 s25, $0x4;
	[sflag:s10] =	ssyncset.done $0x0  }
0x35: {  	s13 =	sadd.s32 s3, s13;
	s26 =	rddreg [dreg:$0x6];
	[sflag:s10] =	ssyncadd.s32 $0xFFFFC000  }
0x36: {  	[hbm4b:s13+s5] =	stream.linear.scatter [tilespmem:s26], [sflag:$0x2], $0x4000, $0x38;
	[tilespmem:$0x1A400] =	vst v63  }
0x37: {  	s28 =	sadd.s32 s4, s16;
	s16 =	simm.s32 $0x180;
	_ =	swait.ge [sflag:s10], $0x4000  }
0x38: {  	s16 =	simm.s32 @!p0 $0x180;
	s13 =	sshll.u32 s28, $0x4;
	[sflag:s10] =	ssyncset.done $0x0  }
0x39: {  	s13 =	sadd.s32 s3, s13;
	s29 =	rddreg [dreg:$0x7];
	[sflag:s10] =	ssyncadd.s32 $0xFFFFC000  }
0x3a: {  	[hbm4b:s13+s5] =	stream.linear.scatter [tilespmem:s29], [sflag:$0x2], $0x4000, $0x38;
	[tilespmem:$0x1A400] =	vst v63  }
0x3b: {  	s14 =	sshll.u32 s14, $0x4;
	s30 =	sadd.s32 s4, s16;
	_ =	swait.ge [sflag:s10], $0x4000  }
0x3c: {  	s17 =	sadd.s32 s3, s14;
	s13 =	sshll.u32 s30, $0x4;
	[sflag:s10] =	ssyncset.done $0x0  }
0x3d: {  	s13 =	sadd.s32 s3, s13;
	s31 =	rddreg [dreg:$0x8];
	[sflag:s10] =	ssyncadd.s32 $0xFFFFC000  }
0x3e: {  	[hbm4b:s13+s5] =	stream.linear.scatter [tilespmem:s31], [sflag:$0x2], $0x4000, $0x38;
	[tilespmem:$0x1A400] =	vst v63  }
0x3f: {  	s14 =	simm.s32 $0x280;
	p0 =	por $0x1, $0x1;
	s13 =	simm.s32 $0x400  }
.LBB2_2:
0x40: {  	_ =	swait.ge [sflag:s10], $0x4000  }
0x41: {  	[sflag:s10] =	ssyncset.done $0x0  }
0x42: {  	s21 =	simm.s32 @p0 $0x2;
	[sflag:s10] =	ssyncadd.s32 $0xFFFFC000  }
0x43: {  	[hbm4b:s17+s5] =	stream.linear.scatter [tilespmem:s9], [sflag:$0x2], $0x4000, $0x38;
	[tilespmem:$0x1A400] =	vst v63  }
0x44: {  	_ =	swait.ge @p0 [sflag:s21], $0x4000  }
0x45: {  	[sflag:s21] =	ssyncset.done @p0 $0x0  }
0x46: {  	s22 =	simm.s32 @p0 $0x80;
	s20 =	simm.s32 @p0 $0x6400;
	[sflag:s21] =	ssyncadd.s32 @p0 $0xFFFFC000  }
0x47: {  	[tilespmem:s20], [sflag:$0x1] =	stream.indirect.gather @p0 [hbm4b:s2+s22], $0x80, s14, s22, $0xb8;
	[tilespmem:$0x1A400] =	vst v63  }
0x48: {  	_ =	swait.ge @p0 [sflag:s21], $0x4000  }
0x49: {  	[sflag:s21] =	ssyncset.done @p0 $0x0  }
0x4a: {  	s23 =	simm.s32 @p0 $0xA400;
	s20 =	sadd.s32 @p0 $0x80, s14;
	[sflag:s21] =	ssyncadd.s32 @p0 $0xFFFFC000  }
0x4b: {  	[tilespmem:s23], [sflag:$0x1] =	stream.indirect.gather @p0 [hbm4b:s2+s22], $0x80, s20, s22, $0xb8;
	[tilespmem:$0x1A400] =	vst v63  }
0x4c: {  	_ =	swait.ge @p0 [sflag:s21], $0x4000  }
0x4d: {  	[sflag:s21] =	ssyncset.done @p0 $0x0  }
0x4e: {  	s24 =	simm.s32 @p0 $0xE400;
	s23 =	sadd.s32 @p0 $0x100, s14;
	[sflag:s21] =	ssyncadd.s32 @p0 $0xFFFFC000  }
0x4f: {  	[tilespmem:s24], [sflag:$0x1] =	stream.indirect.gather @p0 [hbm4b:s2+s22], $0x80, s23, s22, $0xb8;
	[tilespmem:$0x1A400] =	vst v63  }
0x50: {  	_ =	swait.ge @p0 [sflag:s21], $0x4000  }
0x51: {  	[sflag:s21] =	ssyncset.done @p0 $0x0  }
0x52: {  	s23 =	sadd.s32 @p0 $0x180, s14;
	s24 =	simm.s32 @p0 $0x12400;
	[sflag:s21] =	ssyncadd.s32 @p0 $0xFFFFC000  }
0x53: {  	[tilespmem:s24], [sflag:$0x1] =	stream.indirect.gather @p0 [hbm4b:s2+s22], $0x80, s23, s22, $0xb8;
	[tilespmem:$0x1A400] =	vst v63  }
0x54: {  	s16 =	sadd.s32 @p0 $0xFFFFFE80, s13;
	_ =	swait.ge @p0 [sflag:s21], $0x4000  }
0x55: {  	s18 =	sadd.s32 @p0 $0xFFFFFF00, s13;
	s22 =	simm.s32 @!p0 $0x80;
	[sflag:s21] =	ssyncset.done @p0 $0x0  }
0x56: {  	s23 =	simm.s32 @!p0 $0x0;
	[sflag:s21] =	ssyncadd.s32 @p0 $0xFFFFC000;
	s21 =	simm.s32 @!p0 $0x6400  }
0x57: {  	[tilespmem:s21], [sflag:$0x1] =	stream.indirect.gather @!p0 [hbm4b:s2+s22], $0x80, s23, s22, $0xb8;
	[tilespmem:$0x1A400] =	vst v63  }
0x58: {  	s16 =	simm.s32 @!p0 $0x0;
	s18 =	simm.s32 @!p0 $0x80;
	s21 =	simm.s32 @!p0 $0xA400  }
0x59: {  	[tilespmem:s21], [sflag:$0x1] =	stream.indirect.gather @!p0 [hbm4b:s2+s22], $0x80, s22, s22, $0xb8;
	[tilespmem:$0x1A400] =	vst v63  }
0x5a: {  	s19 =	sadd.s32 s4, s16;
	s23 =	simm.s32 @!p0 $0xE400;
	s21 =	simm.s32 @!p0 $0x100  }
0x5b: {  	[tilespmem:s23], [sflag:$0x1] =	stream.indirect.gather @!p0 [hbm4b:s2+s22], $0x80, s21, s22, $0xb8;
	[tilespmem:$0x1A400] =	vst v63  }
0x5c: {  	s30 =	sadd.s32 s4, s18;
	s24 =	simm.s32 @!p0 $0x180;
	s21 =	simm.s32 @!p0 $0x12400  }
0x5d: {  	[tilespmem:s21], [sflag:$0x1] =	stream.indirect.gather @!p0 [hbm4b:s2+s22], $0x80, s24, s22, $0xb8;
	[tilespmem:$0x1A400] =	vst v63  }
0x5e: {  	s18 =	sadd.s32 @p0 $0xFFFFFF80, s13;
	s16 =	sadd.s32 $0x200, s16;
	s25 =	rddreg [dreg:$0x4]  }
0x5f: {  	[tilespmem:s9], [sflag:$0x1] =	stream.indirect.gather [hbm4b:s2+s25], $0x80, s16, s25, $0xb8;
	[tilespmem:$0x1A400] =	vst v63  }
0x60: {  	s13 =	simm.s32 @!p0 $0x180;
	s19 =	sshll.u32 s19, $0x4;
	_ =	swait.ge [sflag:s10], $0x4000  }
0x61: {  	s17 =	sshll.u32 s30, $0x4;
	s18 =	simm.s32 @!p0 $0x100;
	[sflag:s10] =	ssyncset.done $0x0  }
0x62: {  	s19 =	sadd.s32 s3, s19;
	s26 =	rddreg [dreg:$0x5];
	[sflag:s10] =	ssyncadd.s32 $0xFFFFC000  }
0x63: {  	[hbm4b:s19+s5] =	stream.linear.scatter [tilespmem:s26], [sflag:$0x2], $0x4000, $0x38;
	[tilespmem:$0x1A400] =	vst v63  }
0x64: {  	s13 =	sadd.s32 s4, s13;
	s18 =	sadd.s32 s4, s18;
	_ =	swait.ge [sflag:s10], $0x4000  }
0x65: {  	s17 =	sadd.s32 s3, s17;
	s31 =	sshll.u32 s18, $0x4;
	[sflag:s10] =	ssyncset.done $0x0  }
0x66: {  	s18 =	sshll.u32 s13, $0x4;
	s28 =	rddreg [dreg:$0x6];
	[sflag:s10] =	ssyncadd.s32 $0xFFFFC000  }
0x67: {  	[hbm4b:s17+s5] =	stream.linear.scatter [tilespmem:s28], [sflag:$0x2], $0x4000, $0x38;
	[tilespmem:$0x1A400] =	vst v63  }
0x68: {  	s13 =	smov.u32 s15;
	s15 =	sadd.s32 $0x280, s15;
	_ =	swait.ge [sflag:s10], $0x4000  }
0x69: {  	p1 =	sne.s32 s15, $0x6580;
	[sflag:s10] =	ssyncset.done $0x0  }
0x6a: {  	s30 =	sadd.s32 s3, s31;
	s29 =	rddreg [dreg:$0x7];
	[sflag:s10] =	ssyncadd.s32 $0xFFFFC000  }
0x6b: {  	[hbm4b:s30+s5] =	stream.linear.scatter [tilespmem:s29], [sflag:$0x2], $0x4000, $0x38;
	[tilespmem:$0x1A400] =	vst v63  }
.Ltmp0:
0x6c: {  	s18 =	sadd.s32 s3, s18;
	(pc) =	sbr.rel @p1 .LBB2_2-.Ltmp0, $4  }
0x6d: {  	s14 =	sadd.s32 $0x280, s14;
	s16 =	sadd.s32 s4, s16;
	_ =	swait.ge [sflag:s10], $0x4000  }
0x6e: {  	p0 =	sne.s32 s13, $0x180;
	s16 =	sshll.u32 s16, $0x4;
	[sflag:s10] =	ssyncset.done $0x0  }
0x6f: {  	s17 =	sadd.s32 s3, s16;
	s31 =	rddreg [dreg:$0x8];
	[sflag:s10] =	ssyncadd.s32 $0xFFFFC000  }
0x70: {  	[hbm4b:s18+s5] =	stream.linear.scatter [tilespmem:s31], [sflag:$0x2], $0x4000, $0x38;
	[tilespmem:$0x1A400] =	vst v63  }
0x71: {  	_ =	swait.ge [sflag:s10], $0x4000  }
0x72: {  	[sflag:s10] =	ssyncset.done $0x0  }
0x73: {  	s15 =	simm.s32 @p0 $0x2;
	[sflag:s10] =	ssyncadd.s32 $0xFFFFC000  }
0x74: {  	[hbm4b:s17+s5] =	stream.linear.scatter [tilespmem:s9], [sflag:$0x2], $0x4000, $0x38;
	[tilespmem:$0x1A400] =	vst v63  }
0x75: {  	_ =	swait.ge @p0 [sflag:s15], $0x4000  }
0x76: {  	[sflag:s15] =	ssyncset.done @p0 $0x0  }
0x77: {  	s16 =	simm.s32 @p0 $0x80;
	s17 =	simm.s32 @p0 $0x6400;
	[sflag:s15] =	ssyncadd.s32 @p0 $0xFFFFC000  }
0x78: {  	[tilespmem:s17], [sflag:$0x1] =	stream.indirect.gather @p0 [hbm4b:s2+s16], $0x80, s14, s16, $0xb8;
	[tilespmem:$0x1A400] =	vst v63  }
0x79: {  	_ =	swait.ge @p0 [sflag:s15], $0x4000  }
0x7a: {  	[sflag:s15] =	ssyncset.done @p0 $0x0  }
0x7b: {  	s18 =	simm.s32 @p0 $0xA400;
	s17 =	sadd.s32 @p0 $0x80, s14;
	[sflag:s15] =	ssyncadd.s32 @p0 $0xFFFFC000  }
0x7c: {  	[tilespmem:s18], [sflag:$0x1] =	stream.indirect.gather @p0 [hbm4b:s2+s16], $0x80, s17, s16, $0xb8;
	[tilespmem:$0x1A400] =	vst v63  }
0x7d: {  	_ =	swait.ge @p0 [sflag:s15], $0x4000  }
0x7e: {  	[sflag:s15] =	ssyncset.done @p0 $0x0  }
0x7f: {  	s17 =	sadd.s32 @p0 $0x100, s14;
	s18 =	simm.s32 @p0 $0xE400;
	[sflag:s15] =	ssyncadd.s32 @p0 $0xFFFFC000  }
0x80: {  	[tilespmem:s18], [sflag:$0x1] =	stream.indirect.gather @p0 [hbm4b:s2+s16], $0x80, s17, s16, $0xb8;
	[tilespmem:$0x1A400] =	vst v63  }
0x81: {  	_ =	swait.ge @p0 [sflag:s15], $0x4000  }
0x82: {  	[sflag:s15] =	ssyncset.done @p0 $0x0  }
0x83: {  	s14 =	sadd.s32 @p0 $0x180, s14;
	s17 =	simm.s32 @p0 $0x12400;
	[sflag:s15] =	ssyncadd.s32 @p0 $0xFFFFC000  }
0x84: {  	[tilespmem:s17], [sflag:$0x1] =	stream.indirect.gather @p0 [hbm4b:s2+s16], $0x80, s14, s16, $0xb8;
	[tilespmem:$0x1A400] =	vst v63  }
0x85: {  	_ =	swait.ge @p0 [sflag:s15], $0x4000  }
0x86: {  	s14 =	simm.s32 @!p0 $0x80;
	[sflag:s15] =	ssyncset.done @p0 $0x0  }
0x87: {  	s16 =	simm.s32 @!p0 $0x0;
	[sflag:s15] =	ssyncadd.s32 @p0 $0xFFFFC000;
	s15 =	simm.s32 @!p0 $0x6400  }
0x88: {  	[tilespmem:s15], [sflag:$0x1] =	stream.indirect.gather @!p0 [hbm4b:s2+s14], $0x80, s16, s14, $0xb8;
	[tilespmem:$0x1A400] =	vst v63  }
0x89: {  	s16 =	simm.s32 @!p0 $0xA400  }
0x8a: {  	[tilespmem:s16], [sflag:$0x1] =	stream.indirect.gather @!p0 [hbm4b:s2+s14], $0x80, s14, s14, $0xb8;
	[tilespmem:$0x1A400] =	vst v63  }
0x8b: {  	s17 =	simm.s32 @!p0 $0xE400;
	s15 =	sadd.s32 @p0 $0xFFFFFE80, s13;
	s16 =	simm.s32 @!p0 $0x100  }
0x8c: {  	[tilespmem:s17], [sflag:$0x1] =	stream.indirect.gather @!p0 [hbm4b:s2+s14], $0x80, s16, s14, $0xb8;
	[tilespmem:$0x1A400] =	vst v63  }
0x8d: {  	s15 =	simm.s32 @!p0 $0x0;
	s16 =	simm.s32 @!p0 $0x180;
	s17 =	simm.s32 @!p0 $0x12400  }
0x8e: {  	[tilespmem:s17], [sflag:$0x1] =	stream.indirect.gather @!p0 [hbm4b:s2+s14], $0x80, s16, s14, $0xb8;
	[tilespmem:$0x1A400] =	vst v63  }
0x8f: {  	s22 =	rddreg [dreg:$0x4];
	s23 =	sadd.s32 $0x200, s15;
	s15 =	sadd.s32 s4, s15  }
0x90: {  	[tilespmem:s9], [sflag:$0x1] =	stream.indirect.gather [hbm4b:s2+s22], $0x80, s23, s22, $0xb8;
	[tilespmem:$0x1A400] =	vst v63  }
0x91: {  	s15 =	sshll.u32 s15, $0x4;
	_ =	swait.ge [sflag:s10], $0x4000  }
0x92: {  	s15 =	sadd.s32 s3, s15;
	s17 =	sadd.s32 @p0 $0xFFFFFF00, s13;
	[sflag:s10] =	ssyncset.done $0x0  }
0x93: {  	s17 =	simm.s32 @!p0 $0x80;
	s24 =	rddreg [dreg:$0x5];
	[sflag:s10] =	ssyncadd.s32 $0xFFFFC000  }
0x94: {  	[hbm4b:s15+s5] =	stream.linear.scatter [tilespmem:s24], [sflag:$0x2], $0x4000, $0x38;
	[tilespmem:$0x1A400] =	vst v63  }
0x95: {  	s25 =	sadd.s32 s4, s17;
	s17 =	sadd.s32 @p0 $0xFFFFFF80, s13;
	_ =	swait.ge [sflag:s10], $0x4000  }
0x96: {  	s17 =	simm.s32 @!p0 $0x100;
	s15 =	sshll.u32 s25, $0x4;
	[sflag:s10] =	ssyncset.done $0x0  }
0x97: {  	s15 =	sadd.s32 s3, s15;
	s26 =	rddreg [dreg:$0x6];
	[sflag:s10] =	ssyncadd.s32 $0xFFFFC000  }
0x98: {  	[hbm4b:s15+s5] =	stream.linear.scatter [tilespmem:s26], [sflag:$0x2], $0x4000, $0x38;
	[tilespmem:$0x1A400] =	vst v63  }
0x99: {  	s28 =	sadd.s32 s4, s17;
	_ =	swait.ge [sflag:s10], $0x4000  }
0x9a: {  	s13 =	simm.s32 @!p0 $0x180;
	s15 =	sshll.u32 s28, $0x4;
	[sflag:s10] =	ssyncset.done $0x0  }
0x9b: {  	s15 =	sadd.s32 s3, s15;
	s29 =	rddreg [dreg:$0x7];
	[sflag:s10] =	ssyncadd.s32 $0xFFFFC000  }
0x9c: {  	[hbm4b:s15+s5] =	stream.linear.scatter [tilespmem:s29], [sflag:$0x2], $0x4000, $0x38;
	[tilespmem:$0x1A400] =	vst v63  }
0x9d: {  	s13 =	sadd.s32 s4, s13;
	_ =	swait.ge [sflag:s10], $0x4000  }
0x9e: {  	s13 =	sshll.u32 s13, $0x4;
	[sflag:s10] =	ssyncset.done $0x0  }
0x9f: {  	s13 =	sadd.s32 s3, s13;
	s30 =	rddreg [dreg:$0x8];
	[sflag:s10] =	ssyncadd.s32 $0xFFFFC000  }
0xa0: {  	[hbm4b:s13+s5] =	stream.linear.scatter [tilespmem:s30], [sflag:$0x2], $0x4000, $0x38;
	[tilespmem:$0x1A400] =	vst v63  }
0xa1: {  	s31 =	sadd.s32 s4, s23;
	_ =	swait.ge [sflag:s10], $0x4000  }
0xa2: {  	s13 =	sshll.u32 s31, $0x4;
	[sflag:s10] =	ssyncset.done $0x0  }
0xa3: {  	s13 =	sadd.s32 s3, s13;
	[sflag:s10] =	ssyncadd.s32 $0xFFFFC000  }
0xa4: {  	[hbm4b:s13+s5] =	stream.linear.scatter [tilespmem:s9], [sflag:$0x2], $0x4000, $0x38;
	[tilespmem:$0x1A400] =	vst v63  }
0xa5: {  	_ =	swait.ge [sflag:s11], $0x4000  }
0xa6: {  	[sflag:s11] =	ssyncset.done $0x0  }
0xa7: {  	[sflag:s11] =	ssyncadd.s32 $0xFFFFC000  }
0xa8: {  	_ =	swait.ge [sflag:s11], $0x4000  }
0xa9: {  	[sflag:s11] =	ssyncset.done $0x0  }
0xaa: {  	[sflag:s11] =	ssyncadd.s32 $0xFFFFC000  }
0xab: {  	_ =	swait.ge [sflag:s11], $0x4000  }
0xac: {  	[sflag:s11] =	ssyncset.done $0x0  }
0xad: {  	s12 =	sadd.s32 $0x1, s12;
	[sflag:s11] =	ssyncadd.s32 $0xFFFFC000  }
0xae: {  	p0 =	sne.s32 s12, s7;
	_ =	swait.ge [sflag:s11], $0x4000  }
.Ltmp1:
0xaf: {  	[sflag:s11] =	ssyncset.done $0x0;
	(pc) =	sbr.rel @p0 .LBB2_1-.Ltmp1, $4  }
0xb0: {  	[sflag:s11] =	ssyncadd.s32 $0xFFFFC000  }
0xb1: {  	_ =	swait.ge [sflag:s11], $0x4000  }
0xb2: {  	[sflag:s11] =	ssyncset.done $0x0  }
0xb3: {  	[sflag:s11] =	ssyncadd.s32 $0xFFFFC000  }
0xb4: {  	_ =	sfence.sel $0x180000  }
0xb5: {  	[bflag:$0x0] =	sbarrier.arrive $0xFFFF  }
0xb6: {  	p0 =	sne.s32 s0, $0x0;
	_ =	strace $0x90000047  }
0xb7: {  	s0 =	sadd.s32 @!p0 $0x100000, s1;
	[bflag:$0x2] =	sbarrier.arrive $0xFFFF  }
0xb8: {  	[sflag:s0] =	ssyncadd.tile.s32 @!p0 $0x1;
	_ =	shalt  }
.Lfunc_end2:
_tile_overlayer_lowered:
.L_overlay_start_2:
0xb9: {  	(tag) =	ssettag $0x2  }
0xba: {  	s0 =	rddreg [dreg:$0x0];
	s2 =	stileid.u32  }
0xbb: {  	s1 =	rddreg [dreg:$0x1];
	p0 =	sne.s32 s2, $0x0  }
0xbc: {  	s3 =	rddreg [dreg:$0x2];
	[bflag:$0x3] =	sbarrier.arrive $0xFFFF;
	s2 =	simm.s32 @!p0 $0x1C03  }
0xbd: {  	[timem:s3], [sflag:s2] =	dma.local @!p0 [hbm:s0], s1  }
0xbe: {  	s0 =	simm.s32 @!p0 $0x3  }
0xbf: {  	_ =	swait.ge @!p0 [sflag:s0], s1  }
0xc0: {  	s1 =	ssub.s32 @!p0 $0x0, s1;
	[sflag:s0] =	ssyncset.done @!p0 $0x0  }
0xc1: {  	[sflag:s0] =	ssyncadd.s32 @!p0 s1  }
0xc2: {  	[bflag:$0x3] =	sbarrier.arrive $0xFFFF  }
0xc3: {  	_ =	shalt  }

</sc_bundles>
